<compile_context>
chip_gen: v7x
topology: tpu7x:2x2x1
jax: 0.10.2.dev20260603
libtpu: 0.0.44.dev20260713+nightly
codegen_flags: <defaults>
</compile_context>

<pallas_src>
import functools

import jax
import jax.numpy as jnp
from jax import lax
from jax.experimental import pallas as pl
from jax.experimental.pallas import tpu as pltpu
from jax.experimental.pallas import tpu_sc as plsc

_K = 5
_EPS = 1e-7
_N = 4096
_DX = 128
_DZ = 64
_DZP = 128
_ROWS = 1024
_CHUNK = 1024
_STRIP = 8
_LN10 = 2.302585092994046


def _topk_body(xr_ref, xfull_ref, idx_ref, lid_ref, dsq_ref):
    i = pl.program_id(0)
    xr = xr_ref[...]
    sxr = jnp.sum(xr * xr, axis=1, keepdims=True)
    cms, cams = [], []
    for c in range(_N // _CHUNK):
        xc = xfull_ref[c * _CHUNK:(c + 1) * _CHUNK, :]
        sxc = jnp.sum(xc * xc, axis=1)
        g = lax.dot_general(xr, xc, (((1,), (1,)), ((), ())),
                            preferred_element_type=jnp.float32)
        dsq = jnp.maximum(sxr + sxc[None, :] - 2.0 * g, 1e-12)
        rowg = lax.broadcasted_iota(jnp.int32, (_ROWS, _CHUNK), 0) + i * _ROWS
        colg = (lax.broadcasted_iota(jnp.int32, (_ROWS, _CHUNK), 1)
                + c * _CHUNK)
        dsq = jnp.where(rowg == colg, jnp.float32(jnp.inf), dsq)
        dsq_ref[:, c * _CHUNK:(c + 1) * _CHUNK] = dsq
        cm = jnp.min(dsq, axis=1, keepdims=True)
        cam = jnp.min(jnp.where(dsq == cm, colg.astype(jnp.float32),
                                jnp.float32(_N)), axis=1, keepdims=True)
        cms.append(cm)
        cams.append(cam)
    cmat = jnp.concatenate(cms, axis=1)
    camat = jnp.concatenate(cams, axis=1)
    m0 = jnp.min(cmat, axis=1, keepdims=True)
    am0 = jnp.min(jnp.where(cmat == m0, camat, jnp.float32(_N)),
                  axis=1, keepdims=True)
    colf = lax.broadcasted_iota(jnp.int32, (_ROWS, _N), 1).astype(jnp.float32)
    vals, idxs = [m0], [am0.astype(jnp.int32)]
    found = [am0]
    for j in range(1, _K):
        d = dsq_ref[...]
        for a in found:
            d = jnp.where(colf == a, jnp.float32(jnp.inf), d)
        m = jnp.min(d, axis=1, keepdims=True)
        am = jnp.min(jnp.where(d == m, colf, jnp.float32(_N)),
                     axis=1, keepdims=True)
        vals.append(m)
        idxs.append(am.astype(jnp.int32))
        found.append(am)
    v = jnp.sqrt(jnp.concatenate(vals, axis=1)) + _EPS
    logs = jnp.log(v)
    lid = -(jnp.sum(logs, axis=1, keepdims=True)
            - _K * logs[:, _K - 1:_K]) / _LN10
    idx_ref[...] = jnp.concatenate(
        idxs + [jnp.zeros((_ROWS, 8 - _K), jnp.int32)], axis=1)
    lid_ref[...] = jnp.broadcast_to(lid, (_ROWS, 8))


def _lid_loss_body(z_ref, zg_ref, lidx_ref, idx_ref, out_ref):
    z = z_ref[...]
    sz = jnp.sum(z * z, axis=1, keepdims=True)
    z2 = jnp.concatenate([z, z], axis=1)
    left = lax.broadcasted_iota(jnp.int32, (_N, _DZP), 1) < _DZ
    logs = []
    for j in range(_K):
        blk = zg_ref[:, j * _DZP:(j + 1) * _DZP]
        par = (idx_ref[:, j:j + 1] & 1) == 1
        use = jnp.logical_xor(par, left)
        dot = jnp.sum(jnp.where(use, z2 * blk, 0.0), axis=1, keepdims=True)
        szg = jnp.sum(jnp.where(use, blk * blk, 0.0), axis=1, keepdims=True)
        zd = jnp.sqrt(jnp.maximum(sz + szg - 2.0 * dot, 1e-12)) + _EPS
        logs.append(jnp.log(zd))
    total = logs[0]
    for j in range(1, _K):
        total = total + logs[j]
    lid_z = -(total - _K * logs[_K - 1]) / _LN10
    diff = lidx_ref[:, 0:1] - lid_z
    out_ref[...] = (jnp.sum(diff * diff) / (_N * _K * 10)).reshape(1, 1)


_NC, _NS = 2, 16
_NW = _NC * _NS
_B = _N * _K
_BPW = _B // _NW
_GCH = 128


@functools.cache
def _make_gather_rows():
    @functools.partial(
        pl.kernel,
        mesh=plsc.VectorSubcoreMesh(core_axis_name="c", subcore_axis_name="s"),
        out_type=jax.ShapeDtypeStruct((_B, _DZP), jnp.float32),
        scratch_types=[
            pltpu.VMEM((_BPW,), jnp.int32),
            pltpu.VMEM((_BPW, _DZP), jnp.float32),
            pltpu.SemaphoreType.DMA,
        ],
    )
    def _gather_rows(table_hbm, idx_hbm, out_hbm, idx_v, rows_v, sem):
        wid = lax.axis_index("s") * _NC + lax.axis_index("c")
        base = wid * _BPW
        pltpu.sync_copy(idx_hbm.at[pl.ds(base, _BPW)], idx_v)
        copies = []
        for k in range(_BPW // _GCH):
            copies.append(pltpu.async_copy(
                table_hbm.at[idx_v.at[pl.ds(k * _GCH, _GCH)]],
                rows_v.at[pl.ds(k * _GCH, _GCH)], sem))
        for cp in copies:
            cp.wait()
        pltpu.sync_copy(rows_v, out_hbm.at[pl.ds(base, _BPW)])

    return _gather_rows


def kernel(X, Z):
    idx8, lidx8 = pl.pallas_call(
        _topk_body,
        grid=(_N // _ROWS,),
        in_specs=[
            pl.BlockSpec((_ROWS, _DX), lambda i: (i, 0)),
            pl.BlockSpec((_N, _DX), lambda i: (0, 0)),
        ],
        out_specs=[
            pl.BlockSpec((_ROWS, 8), lambda i: (i, 0)),
            pl.BlockSpec((_ROWS, 8), lambda i: (i, 0)),
        ],
        out_shape=[
            jax.ShapeDtypeStruct((_N, 8), jnp.int32),
            jax.ShapeDtypeStruct((_N, 8), jnp.float32),
        ],
        scratch_shapes=[pltpu.VMEM((_ROWS, _N), jnp.float32)],
    )(X, X)
    idx_half = (idx8[:, :_K] // 2).reshape(-1)
    z_packed = Z.reshape(_N // 2, 2 * _DZ)
    zg = _make_gather_rows()(z_packed, idx_half).reshape(_N, _K * _DZP)
    loss = pl.pallas_call(
        _lid_loss_body,
        out_shape=jax.ShapeDtypeStruct((1, 1), jnp.float32),
    )(Z, zg, lidx8, idx8)
    return loss[0, 0]

# --- scband reference (transcript-rebuilt; emitter-appended) ---
"""Pipeline reference for scband-lid-nsaloss-v1-85864986182061 (READ-ONLY COPY).

The authoritative reference and input builder live on the scoring server;
editing this copy changes nothing except your own understanding.
"""

import jax, jax.numpy as jnp
import numpy as np

K = 5
EPS = 1e-07

def _cdist(A, B):
    sq = jnp.sum(A * A, axis=1)[:, None] + jnp.sum(B * B, axis=1)[None, :] - 2.0 * (A @ B.T)
    return jnp.sqrt(jnp.maximum(sq, 1e-12))

def setup_inputs(seed: int = 0) -> dict:
    key = jax.random.key(seed)
    k1, k2 = jax.random.split(key)
    X = jax.random.normal(k1, (4096, 128), dtype=jnp.float32)
    Z = jax.random.normal(k2, (4096, 64), dtype=jnp.float32)
    return {"X": X, "Z": Z}

def reference(X, Z):
    mean_x = jnp.mean(X, axis=0)
    mean_z = jnp.mean(Z, axis=0)
    normA1 = jnp.quantile(jnp.sqrt(jnp.sum((X - mean_x) ** 2, axis=1)), 0.98)
    normA2 = jnp.quantile(jnp.sqrt(jnp.sum((Z - mean_z) ** 2, axis=1)), 0.98)
    # neighbor mask on X
    x_dist = (_cdist(X, X) + EPS) / normA1
    neg_vals, idx = jax.lax.top_k(-x_dist, K + 1)  # smallest K+1 distances, ascending
    values = -neg_vals
    values = values[:, 1:]
    indices = idx[:, 1:]
    norm_values = values[:, -1:]
    lid_X = -jnp.sum(jnp.log10(values) - jnp.log10(norm_values), axis=1)
    # Z distances gathered at X-neighbor indices
    z_dist = (_cdist(Z, Z) + EPS) / normA2
    rows = jnp.broadcast_to(jnp.arange(z_dist.shape[0])[:, None], indices.shape)
    extracted = z_dist[rows, indices]
    nv = extracted[:, -1:]
    lid_Z = -jnp.sum(jnp.log10(extracted) - jnp.log10(nv), axis=1)
    lid_nsa = jnp.sum(jnp.square(lid_X - lid_Z)) / (X.shape[0] * K * 10)
    return lid_nsa

if __name__ == "__main__":
    import jax
    _d = setup_inputs()
    print(jax.jit(kernel)(*tuple(_d.values())))

</pallas_src>

<mosaic_0001>
#map = affine_map<(d0, d1) -> (0, 0)>
#map1 = affine_map<(d0, d1) -> (0)>
module attributes {stable_mosaic.version = 14 : i64} {
  func.func @_gather_rows(%arg0: i32, %arg1: i32, %arg2: memref<2048x128xf32, #tpu.memory_space<hbm>>, %arg3: memref<20480xi32, #tpu.memory_space<hbm>>, %arg4: memref<20480x128xf32, #tpu.memory_space<hbm>>, %arg5: memref<640xi32, #tpu.memory_space<vmem>>, %arg6: memref<640x128xf32, #tpu.memory_space<vmem>>, %arg7: memref<!tpu.dma_semaphore, #tpu.memory_space<semaphore_mem>>) attributes {dimension_semantics = [#tpu.dimension_semantics<core_parallel>, #tpu.dimension_semantics<subcore_parallel>], iteration_bounds = array<i64: 2, 16>, scalar_prefetch = 0 : i64, scratch_operands = 3 : i64, tpu.core_type = #tpu.core_type<sc_vector_subcore>, window_params = [{transform_indices = #map}, {transform_indices = #map1}, {transform_indices = #map}]} {
    %mul3A = arith.constant 2 : i32
    %mul3A_0 = arith.muli %arg1, %mul3A : i32
    %add3A = arith.addi %mul3A_0, %arg0 : i32
    %mul3A_1 = arith.constant 640 : i32
    %mul3A_2 = arith.muli %add3A, %mul3A_1 : i32
    "tpu.region"() ({
      %run_scoped3A = tpu.sem_alloc : memref<!tpu.dma_semaphore, #tpu.memory_space<semaphore_mem>>
      %dma_start3A_81 = tpu.memref_slice %arg3[%mul3A_2] : memref<20480xi32, #tpu.memory_space<hbm>> -> memref<640xi32, #tpu.memory_space<hbm>>
      %dma_start3A_82 = tpu.memref_slice %arg3[%mul3A_2] : memref<20480xi32, #tpu.memory_space<hbm>> -> memref<640xi32, #tpu.memory_space<hbm>>
      tpu.enqueue_dma source(%dma_start3A_82 : memref<640xi32, #tpu.memory_space<hbm>>) target(%arg5 : memref<640xi32, #tpu.memory_space<vmem>>) target_semaphore(%run_scoped3A : memref<!tpu.dma_semaphore, #tpu.memory_space<semaphore_mem>>)
      %dma_wait3A_83 = tpu.memref_slice %arg3[%mul3A_2] : memref<20480xi32, #tpu.memory_space<hbm>> -> memref<640xi32, #tpu.memory_space<hbm>>
      %dma_wait3A_84 = tpu.memref_slice %arg3[%mul3A_2] : memref<20480xi32, #tpu.memory_space<hbm>> -> memref<640xi32, #tpu.memory_space<hbm>>
      tpu.wait_dma2 semaphore(%run_scoped3A : memref<!tpu.dma_semaphore, #tpu.memory_space<semaphore_mem>>) src(%dma_wait3A_84 : memref<640xi32, #tpu.memory_space<hbm>>) dst(%arg5 : memref<640xi32, #tpu.memory_space<vmem>>)
      tpu.yield
    }) : () -> ()
    %dma_start3A = arith.constant 0 : i32
    %dma_start3A_3 = arith.constant 0 : i32
    %dma_start3A_4 = tpu.memref_slice %arg6[%dma_start3A, %dma_start3A_3] : memref<640x128xf32, #tpu.memory_space<vmem>> -> memref<128x128xf32, #tpu.memory_space<vmem>>
    %dma_start3A_5 = arith.constant 0 : i32
    %dma_start3A_6 = tpu.memref_slice %arg5[%dma_start3A_5] : memref<640xi32, #tpu.memory_space<vmem>> -> memref<128xi32, #tpu.memory_space<vmem>>
    %dma_start3A_7 = arith.constant 0 : i32
    %dma_start3A_8 = arith.constant 0 : i32
    %dma_start3A_9 = tpu.memref_slice %arg2[%dma_start3A_7, %dma_start3A_8] : memref<2048x128xf32, #tpu.memory_space<hbm>> -> memref<2048x128xf32, #tpu.memory_space<hbm>>
    tpu.enqueue_indirect_dma source(%dma_start3A_9 : memref<2048x128xf32, #tpu.memory_space<hbm>>) target(%dma_start3A_4 : memref<128x128xf32, #tpu.memory_space<vmem>>) offsets(%dma_start3A_6 : memref<128xi32, #tpu.memory_space<vmem>>) semaphore(%arg7 : memref<!tpu.dma_semaphore, #tpu.memory_space<semaphore_mem>>)
    %dma_start3A_10 = arith.constant 128 : i32
    %dma_start3A_11 = arith.constant 0 : i32
    %dma_start3A_12 = tpu.memref_slice %arg6[%dma_start3A_10, %dma_start3A_11] : memref<640x128xf32, #tpu.memory_space<vmem>> -> memref<128x128xf32, #tpu.memory_space<vmem>>
    %dma_start3A_13 = arith.constant 128 : i32
    %dma_start3A_14 = tpu.memref_slice %arg5[%dma_start3A_13] : memref<640xi32, #tpu.memory_space<vmem>> -> memref<128xi32, #tpu.memory_space<vmem>>
    %dma_start3A_15 = arith.constant 0 : i32
    %dma_start3A_16 = arith.constant 0 : i32
    %dma_start3A_17 = tpu.memref_slice %arg2[%dma_start3A_15, %dma_start3A_16] : memref<2048x128xf32, #tpu.memory_space<hbm>> -> memref<2048x128xf32, #tpu.memory_space<hbm>>
    tpu.enqueue_indirect_dma source(%dma_start3A_17 : memref<2048x128xf32, #tpu.memory_space<hbm>>) target(%dma_start3A_12 : memref<128x128xf32, #tpu.memory_space<vmem>>) offsets(%dma_start3A_14 : memref<128xi32, #tpu.memory_space<vmem>>) semaphore(%arg7 : memref<!tpu.dma_semaphore, #tpu.memory_space<semaphore_mem>>)
    %dma_start3A_18 = arith.constant 256 : i32
    %dma_start3A_19 = arith.constant 0 : i32
    %dma_start3A_20 = tpu.memref_slice %arg6[%dma_start3A_18, %dma_start3A_19] : memref<640x128xf32, #tpu.memory_space<vmem>> -> memref<128x128xf32, #tpu.memory_space<vmem>>
    %dma_start3A_21 = arith.constant 256 : i32
    %dma_start3A_22 = tpu.memref_slice %arg5[%dma_start3A_21] : memref<640xi32, #tpu.memory_space<vmem>> -> memref<128xi32, #tpu.memory_space<vmem>>
    %dma_start3A_23 = arith.constant 0 : i32
    %dma_start3A_24 = arith.constant 0 : i32
    %dma_start3A_25 = tpu.memref_slice %arg2[%dma_start3A_23, %dma_start3A_24] : memref<2048x128xf32, #tpu.memory_space<hbm>> -> memref<2048x128xf32, #tpu.memory_space<hbm>>
    tpu.enqueue_indirect_dma source(%dma_start3A_25 : memref<2048x128xf32, #tpu.memory_space<hbm>>) target(%dma_start3A_20 : memref<128x128xf32, #tpu.memory_space<vmem>>) offsets(%dma_start3A_22 : memref<128xi32, #tpu.memory_space<vmem>>) semaphore(%arg7 : memref<!tpu.dma_semaphore, #tpu.memory_space<semaphore_mem>>)
    %dma_start3A_26 = arith.constant 384 : i32
    %dma_start3A_27 = arith.constant 0 : i32
    %dma_start3A_28 = tpu.memref_slice %arg6[%dma_start3A_26, %dma_start3A_27] : memref<640x128xf32, #tpu.memory_space<vmem>> -> memref<128x128xf32, #tpu.memory_space<vmem>>
    %dma_start3A_29 = arith.constant 384 : i32
    %dma_start3A_30 = tpu.memref_slice %arg5[%dma_start3A_29] : memref<640xi32, #tpu.memory_space<vmem>> -> memref<128xi32, #tpu.memory_space<vmem>>
    %dma_start3A_31 = arith.constant 0 : i32
    %dma_start3A_32 = arith.constant 0 : i32
    %dma_start3A_33 = tpu.memref_slice %arg2[%dma_start3A_31, %dma_start3A_32] : memref<2048x128xf32, #tpu.memory_space<hbm>> -> memref<2048x128xf32, #tpu.memory_space<hbm>>
    tpu.enqueue_indirect_dma source(%dma_start3A_33 : memref<2048x128xf32, #tpu.memory_space<hbm>>) target(%dma_start3A_28 : memref<128x128xf32, #tpu.memory_space<vmem>>) offsets(%dma_start3A_30 : memref<128xi32, #tpu.memory_space<vmem>>) semaphore(%arg7 : memref<!tpu.dma_semaphore, #tpu.memory_space<semaphore_mem>>)
    %dma_start3A_34 = arith.constant 512 : i32
    %dma_start3A_35 = arith.constant 0 : i32
    %dma_start3A_36 = tpu.memref_slice %arg6[%dma_start3A_34, %dma_start3A_35] : memref<640x128xf32, #tpu.memory_space<vmem>> -> memref<128x128xf32, #tpu.memory_space<vmem>>
    %dma_start3A_37 = arith.constant 512 : i32
    %dma_start3A_38 = tpu.memref_slice %arg5[%dma_start3A_37] : memref<640xi32, #tpu.memory_space<vmem>> -> memref<128xi32, #tpu.memory_space<vmem>>
    %dma_start3A_39 = arith.constant 0 : i32
    %dma_start3A_40 = arith.constant 0 : i32
    %dma_start3A_41 = tpu.memref_slice %arg2[%dma_start3A_39, %dma_start3A_40] : memref<2048x128xf32, #tpu.memory_space<hbm>> -> memref<2048x128xf32, #tpu.memory_space<hbm>>
    tpu.enqueue_indirect_dma source(%dma_start3A_41 : memref<2048x128xf32, #tpu.memory_space<hbm>>) target(%dma_start3A_36 : memref<128x128xf32, #tpu.memory_space<vmem>>) offsets(%dma_start3A_38 : memref<128xi32, #tpu.memory_space<vmem>>) semaphore(%arg7 : memref<!tpu.dma_semaphore, #tpu.memory_space<semaphore_mem>>)
    %dma_wait3A = arith.constant 0 : i32
    %dma_wait3A_42 = arith.constant 0 : i32
    %dma_wait3A_43 = tpu.memref_slice %arg6[%dma_wait3A, %dma_wait3A_42] : memref<640x128xf32, #tpu.memory_space<vmem>> -> memref<128x128xf32, #tpu.memory_space<vmem>>
    %dma_wait3A_44 = arith.constant 0 : i32
    %dma_wait3A_45 = tpu.memref_slice %arg5[%dma_wait3A_44] : memref<640xi32, #tpu.memory_space<vmem>> -> memref<128xi32, #tpu.memory_space<vmem>>
    %dma_wait3A_46 = arith.constant 0 : i32
    %dma_wait3A_47 = arith.constant 0 : i32
    %dma_wait3A_48 = tpu.memref_slice %arg2[%dma_wait3A_46, %dma_wait3A_47] : memref<2048x128xf32, #tpu.memory_space<hbm>> -> memref<2048x128xf32, #tpu.memory_space<hbm>>
    tpu.wait_indirect_dma semaphore(%arg7 : memref<!tpu.dma_semaphore, #tpu.memory_space<semaphore_mem>>) src(%dma_wait3A_48 : memref<2048x128xf32, #tpu.memory_space<hbm>>) dst(%dma_wait3A_43 : memref<128x128xf32, #tpu.memory_space<vmem>>)
    %dma_wait3A_49 = arith.constant 128 : i32
    %dma_wait3A_50 = arith.constant 0 : i32
    %dma_wait3A_51 = tpu.memref_slice %arg6[%dma_wait3A_49, %dma_wait3A_50] : memref<640x128xf32, #tpu.memory_space<vmem>> -> memref<128x128xf32, #tpu.memory_space<vmem>>
    %dma_wait3A_52 = arith.constant 128 : i32
    %dma_wait3A_53 = tpu.memref_slice %arg5[%dma_wait3A_52] : memref<640xi32, #tpu.memory_space<vmem>> -> memref<128xi32, #tpu.memory_space<vmem>>
    %dma_wait3A_54 = arith.constant 0 : i32
    %dma_wait3A_55 = arith.constant 0 : i32
    %dma_wait3A_56 = tpu.memref_slice %arg2[%dma_wait3A_54, %dma_wait3A_55] : memref<2048x128xf32, #tpu.memory_space<hbm>> -> memref<2048x128xf32, #tpu.memory_space<hbm>>
    tpu.wait_indirect_dma semaphore(%arg7 : memref<!tpu.dma_semaphore, #tpu.memory_space<semaphore_mem>>) src(%dma_wait3A_56 : memref<2048x128xf32, #tpu.memory_space<hbm>>) dst(%dma_wait3A_51 : memref<128x128xf32, #tpu.memory_space<vmem>>)
    %dma_wait3A_57 = arith.constant 256 : i32
    %dma_wait3A_58 = arith.constant 0 : i32
    %dma_wait3A_59 = tpu.memref_slice %arg6[%dma_wait3A_57, %dma_wait3A_58] : memref<640x128xf32, #tpu.memory_space<vmem>> -> memref<128x128xf32, #tpu.memory_space<vmem>>
    %dma_wait3A_60 = arith.constant 256 : i32
    %dma_wait3A_61 = tpu.memref_slice %arg5[%dma_wait3A_60] : memref<640xi32, #tpu.memory_space<vmem>> -> memref<128xi32, #tpu.memory_space<vmem>>
    %dma_wait3A_62 = arith.constant 0 : i32
    %dma_wait3A_63 = arith.constant 0 : i32
    %dma_wait3A_64 = tpu.memref_slice %arg2[%dma_wait3A_62, %dma_wait3A_63] : memref<2048x128xf32, #tpu.memory_space<hbm>> -> memref<2048x128xf32, #tpu.memory_space<hbm>>
    tpu.wait_indirect_dma semaphore(%arg7 : memref<!tpu.dma_semaphore, #tpu.memory_space<semaphore_mem>>) src(%dma_wait3A_64 : memref<2048x128xf32, #tpu.memory_space<hbm>>) dst(%dma_wait3A_59 : memref<128x128xf32, #tpu.memory_space<vmem>>)
    %dma_wait3A_65 = arith.constant 384 : i32
    %dma_wait3A_66 = arith.constant 0 : i32
    %dma_wait3A_67 = tpu.memref_slice %arg6[%dma_wait3A_65, %dma_wait3A_66] : memref<640x128xf32, #tpu.memory_space<vmem>> -> memref<128x128xf32, #tpu.memory_space<vmem>>
    %dma_wait3A_68 = arith.constant 384 : i32
    %dma_wait3A_69 = tpu.memref_slice %arg5[%dma_wait3A_68] : memref<640xi32, #tpu.memory_space<vmem>> -> memref<128xi32, #tpu.memory_space<vmem>>
    %dma_wait3A_70 = arith.constant 0 : i32
    %dma_wait3A_71 = arith.constant 0 : i32
    %dma_wait3A_72 = tpu.memref_slice %arg2[%dma_wait3A_70, %dma_wait3A_71] : memref<2048x128xf32, #tpu.memory_space<hbm>> -> memref<2048x128xf32, #tpu.memory_space<hbm>>
    tpu.wait_indirect_dma semaphore(%arg7 : memref<!tpu.dma_semaphore, #tpu.memory_space<semaphore_mem>>) src(%dma_wait3A_72 : memref<2048x128xf32, #tpu.memory_space<hbm>>) dst(%dma_wait3A_67 : memref<128x128xf32, #tpu.memory_space<vmem>>)
    %dma_wait3A_73 = arith.constant 512 : i32
    %dma_wait3A_74 = arith.constant 0 : i32
    %dma_wait3A_75 = tpu.memref_slice %arg6[%dma_wait3A_73, %dma_wait3A_74] : memref<640x128xf32, #tpu.memory_space<vmem>> -> memref<128x128xf32, #tpu.memory_space<vmem>>
    %dma_wait3A_76 = arith.constant 512 : i32
    %dma_wait3A_77 = tpu.memref_slice %arg5[%dma_wait3A_76] : memref<640xi32, #tpu.memory_space<vmem>> -> memref<128xi32, #tpu.memory_space<vmem>>
    %dma_wait3A_78 = arith.constant 0 : i32
    %dma_wait3A_79 = arith.constant 0 : i32
    %dma_wait3A_80 = tpu.memref_slice %arg2[%dma_wait3A_78, %dma_wait3A_79] : memref<2048x128xf32, #tpu.memory_space<hbm>> -> memref<2048x128xf32, #tpu.memory_space<hbm>>
    tpu.wait_indirect_dma semaphore(%arg7 : memref<!tpu.dma_semaphore, #tpu.memory_space<semaphore_mem>>) src(%dma_wait3A_80 : memref<2048x128xf32, #tpu.memory_space<hbm>>) dst(%dma_wait3A_75 : memref<128x128xf32, #tpu.memory_space<vmem>>)
    "tpu.region"() ({
      %run_scoped3A = tpu.sem_alloc : memref<!tpu.dma_semaphore, #tpu.memory_space<semaphore_mem>>
      %dma_start3A_81 = arith.constant 0 : i32
      %dma_start3A_82 = tpu.memref_slice %arg4[%mul3A_2, %dma_start3A_81] : memref<20480x128xf32, #tpu.memory_space<hbm>> -> memref<640x128xf32, #tpu.memory_space<hbm>>
      %dma_start3A_83 = arith.constant 0 : i32
      %dma_start3A_84 = tpu.memref_slice %arg4[%mul3A_2, %dma_start3A_83] : memref<20480x128xf32, #tpu.memory_space<hbm>> -> memref<640x128xf32, #tpu.memory_space<hbm>>
      tpu.enqueue_dma source(%arg6 : memref<640x128xf32, #tpu.memory_space<vmem>>) target(%dma_start3A_84 : memref<640x128xf32, #tpu.memory_space<hbm>>) target_semaphore(%run_scoped3A : memref<!tpu.dma_semaphore, #tpu.memory_space<semaphore_mem>>)
      %dma_wait3A_85 = arith.constant 0 : i32
      %dma_wait3A_86 = tpu.memref_slice %arg4[%mul3A_2, %dma_wait3A_85] : memref<20480x128xf32, #tpu.memory_space<hbm>> -> memref<640x128xf32, #tpu.memory_space<hbm>>
      %dma_wait3A_87 = arith.constant 0 : i32
      %dma_wait3A_88 = tpu.memref_slice %arg4[%mul3A_2, %dma_wait3A_87] : memref<20480x128xf32, #tpu.memory_space<hbm>> -> memref<640x128xf32, #tpu.memory_space<hbm>>
      tpu.wait_dma2 semaphore(%run_scoped3A : memref<!tpu.dma_semaphore, #tpu.memory_space<semaphore_mem>>) src(%arg6 : memref<640x128xf32, #tpu.memory_space<vmem>>) dst(%dma_wait3A_88 : memref<640x128xf32, #tpu.memory_space<hbm>>)
      tpu.yield
    }) : () -> ()
    return
  }
}

module attributes {stable_mosaic.version = 14 : i64} {
  func.func @_topk_body(%arg0: i32, %arg1: memref<1024x128xf32, #tpu.memory_space<vmem>>, %arg2: memref<4096x128xf32, #tpu.memory_space<vmem>>, %arg3: memref<1024x8xi32, #tpu.memory_space<vmem>>, %arg4: memref<1024x8xf32, #tpu.memory_space<vmem>>, %arg5: memref<1024x4096xf32, #tpu.memory_space<vmem>>) attributes {dimension_semantics = [#tpu.dimension_semantics<arbitrary>], iteration_bounds = array<i64: 4>, scalar_prefetch = 0 : i64, scratch_operands = 1 : i64, tpu.core_type = #tpu.core_type<tc>, window_params = [{transform_indices = @transform_0, window_bounds = array<i64: 1024, 128>}, {pipeline_mode = #tpu.pipeline_mode<synchronous>, transform_indices = @transform_1, window_bounds = array<i64: 4096, 128>}, {transform_indices = @transform_2, window_bounds = array<i64: 1024, 8>}, {transform_indices = @transform_3, window_bounds = array<i64: 1024, 8>}]} {
    %get3A = arith.constant 0 : index
    %get3A_0 = arith.constant 0 : index
    %get3A_1 = vector.load %arg1[%get3A, %get3A_0] : memref<1024x128xf32, #tpu.memory_space<vmem>>, vector<1024x128xf32>
    %mul3A = arith.mulf %get3A_1, %get3A_1 : vector<1024x128xf32>
    %reduce_sum3A = arith.constant dense<0.000000e+00> : vector<1024xf32>
    %reduce_sum3A_2 = vector.multi_reduction <add>, %mul3A, %reduce_sum3A [1] : vector<1024x128xf32> to vector<1024xf32>
    %broadcast_in_dim3A = vector.shape_cast %reduce_sum3A_2 : vector<1024xf32> to vector<1024x1xf32>
    %get3A_3 = arith.constant 0 : index
    %get3A_4 = arith.constant 0 : index
    %get3A_5 = vector.load %arg2[%get3A_3, %get3A_4] : memref<4096x128xf32, #tpu.memory_space<vmem>>, vector<1024x128xf32>
    %mul3A_6 = arith.mulf %get3A_5, %get3A_5 : vector<1024x128xf32>
    %reduce_sum3A_7 = arith.constant dense<0.000000e+00> : vector<1024xf32>
    %reduce_sum3A_8 = vector.multi_reduction <add>, %mul3A_6, %reduce_sum3A_7 [1] : vector<1024x128xf32> to vector<1024xf32>
    %dot_general3A = arith.constant dense<0.000000e+00> : vector<1024x1024xf32>
    %dot_general3A_9 = tpu.matmul %get3A_1, %get3A_5, %dot_general3A {dimension_numbers = #tpu.dot_dimension_numbers<[1], [1], [0], [0], [0, 0, 1, 0], [], []>, transpose_lhs_hint = false} : vector<1024x128xf32>, vector<1024x128xf32>, vector<1024x1024xf32> -> vector<1024x1024xf32>
    %broadcast_in_dim3A_10 = vector.shape_cast %reduce_sum3A_8 : vector<1024xf32> to vector<1x1024xf32>
    %add3A = vector.broadcast %broadcast_in_dim3A : vector<1024x1xf32> to vector<1024x1024xf32>
    %add3A_11 = vector.broadcast %broadcast_in_dim3A_10 : vector<1x1024xf32> to vector<1024x1024xf32>
    %add3A_12 = arith.addf %add3A, %add3A_11 : vector<1024x1024xf32>
    %mul3A_13 = arith.constant 2.000000e+00 : f32
    %mul3A_14 = vector.broadcast %mul3A_13 : f32 to vector<1024x1024xf32>
    %mul3A_15 = arith.mulf %mul3A_14, %dot_general3A_9 : vector<1024x1024xf32>
    %sub3A = arith.subf %add3A_12, %mul3A_15 : vector<1024x1024xf32>
    %max3A = arith.constant 9.99999996E-13 : f32
    %max3A_16 = vector.broadcast %max3A : f32 to vector<1024x1024xf32>
    %max3A_17 = arith.maximumf %sub3A, %max3A_16 : vector<1024x1024xf32>
    %iota3A = tpu.iota {dimensions = array<i32: 0>} : vector<1024x1024xi32>
    %mul3A_18 = arith.constant 1024 : i32
    %mul3A_19 = arith.muli %arg0, %mul3A_18 : i32
    %add3A_20 = vector.broadcast %mul3A_19 : i32 to vector<1024x1024xi32>
    %add3A_21 = arith.addi %iota3A, %add3A_20 : vector<1024x1024xi32>
    %iota3A_22 = tpu.iota {dimensions = array<i32: 1>} : vector<1024x1024xi32>
    %add3A_23 = arith.constant 0 : i32
    %add3A_24 = vector.broadcast %add3A_23 : i32 to vector<1024x1024xi32>
    %add3A_25 = arith.addi %iota3A_22, %add3A_24 : vector<1024x1024xi32>
    %eq3A = arith.cmpi eq, %add3A_21, %add3A_25 : vector<1024x1024xi32>
    %jit3A = arith.constant 0x7F800000 : f32
    %broadcast_in_dim3A_26 = vector.broadcast %jit3A : f32 to vector<1024x1024xf32>
    %select_n3A = arith.select %eq3A, %broadcast_in_dim3A_26, %max3A_17 : vector<1024x1024xi1>, vector<1024x1024xf32>
    %swap3A = arith.constant 0 : index
    %swap3A_27 = arith.constant 0 : index
    %swap3A_28 = vector.load %arg5[%swap3A, %swap3A_27] : memref<1024x4096xf32, #tpu.memory_space<vmem>>, vector<1024x1024xf32>
    tpu.vector_store %arg5[%swap3A, %swap3A_27], %select_n3A {strides = array<i32>} : memref<1024x4096xf32, #tpu.memory_space<vmem>>, vector<1024x1024xf32>,
    %reduce_min3A = arith.constant dense<0x7F800000> : vector<1024xf32>
    %reduce_min3A_29 = vector.multi_reduction <minimumf>, %select_n3A, %reduce_min3A [1] : vector<1024x1024xf32> to vector<1024xf32>
    %broadcast_in_dim3A_30 = vector.shape_cast %reduce_min3A_29 : vector<1024xf32> to vector<1024x1xf32>
    %eq3A_31 = vector.broadcast %broadcast_in_dim3A_30 : vector<1024x1xf32> to vector<1024x1024xf32>
    %eq3A_32 = arith.cmpf oeq, %select_n3A, %eq3A_31 : vector<1024x1024xf32>
    %convert_element_type3A = arith.sitofp %add3A_25 : vector<1024x1024xi32> to vector<1024x1024xf32>
    %jit3A_33 = arith.constant 4.096000e+03 : f32
    %broadcast_in_dim3A_34 = vector.broadcast %jit3A_33 : f32 to vector<1024x1024xf32>
    %select_n3A_35 = arith.select %eq3A_32, %convert_element_type3A, %broadcast_in_dim3A_34 : vector<1024x1024xi1>, vector<1024x1024xf32>
    %reduce_min3A_36 = arith.constant dense<0x7F800000> : vector<1024xf32>
    %reduce_min3A_37 = vector.multi_reduction <minimumf>, %select_n3A_35, %reduce_min3A_36 [1] : vector<1024x1024xf32> to vector<1024xf32>
    %broadcast_in_dim3A_38 = vector.shape_cast %reduce_min3A_37 : vector<1024xf32> to vector<1024x1xf32>
    %get3A_39 = arith.constant 1024 : index
    %get3A_40 = arith.constant 0 : index
    %get3A_41 = vector.load %arg2[%get3A_39, %get3A_40] : memref<4096x128xf32, #tpu.memory_space<vmem>>, vector<1024x128xf32>
    %mul3A_42 = arith.mulf %get3A_41, %get3A_41 : vector<1024x128xf32>
    %reduce_sum3A_43 = arith.constant dense<0.000000e+00> : vector<1024xf32>
    %reduce_sum3A_44 = vector.multi_reduction <add>, %mul3A_42, %reduce_sum3A_43 [1] : vector<1024x128xf32> to vector<1024xf32>
    %dot_general3A_45 = arith.constant dense<0.000000e+00> : vector<1024x1024xf32>
    %dot_general3A_46 = tpu.matmul %get3A_1, %get3A_41, %dot_general3A_45 {dimension_numbers = #tpu.dot_dimension_numbers<[1], [1], [0], [0], [0, 0, 1, 0], [], []>, transpose_lhs_hint = false} : vector<1024x128xf32>, vector<1024x128xf32>, vector<1024x1024xf32> -> vector<1024x1024xf32>
    %broadcast_in_dim3A_47 = vector.shape_cast %reduce_sum3A_44 : vector<1024xf32> to vector<1x1024xf32>
    %add3A_48 = vector.broadcast %broadcast_in_dim3A : vector<1024x1xf32> to vector<1024x1024xf32>
    %add3A_49 = vector.broadcast %broadcast_in_dim3A_47 : vector<1x1024xf32> to vector<1024x1024xf32>
    %add3A_50 = arith.addf %add3A_48, %add3A_49 : vector<1024x1024xf32>
    %mul3A_51 = arith.constant 2.000000e+00 : f32
    %mul3A_52 = vector.broadcast %mul3A_51 : f32 to vector<1024x1024xf32>
    %mul3A_53 = arith.mulf %mul3A_52, %dot_general3A_46 : vector<1024x1024xf32>
    %sub3A_54 = arith.subf %add3A_50, %mul3A_53 : vector<1024x1024xf32>
    %max3A_55 = arith.constant 9.99999996E-13 : f32
    %max3A_56 = vector.broadcast %max3A_55 : f32 to vector<1024x1024xf32>
    %max3A_57 = arith.maximumf %sub3A_54, %max3A_56 : vector<1024x1024xf32>
    %iota3A_58 = tpu.iota {dimensions = array<i32: 0>} : vector<1024x1024xi32>
    %mul3A_59 = arith.constant 1024 : i32
    %mul3A_60 = arith.muli %arg0, %mul3A_59 : i32
    %add3A_61 = vector.broadcast %mul3A_60 : i32 to vector<1024x1024xi32>
    %add3A_62 = arith.addi %iota3A_58, %add3A_61 : vector<1024x1024xi32>
    %iota3A_63 = tpu.iota {dimensions = array<i32: 1>} : vector<1024x1024xi32>
    %add3A_64 = arith.constant 1024 : i32
    %add3A_65 = vector.broadcast %add3A_64 : i32 to vector<1024x1024xi32>
    %add3A_66 = arith.addi %iota3A_63, %add3A_65 : vector<1024x1024xi32>
    %eq3A_67 = arith.cmpi eq, %add3A_62, %add3A_66 : vector<1024x1024xi32>
    %jit3A_68 = arith.constant 0x7F800000 : f32
    %broadcast_in_dim3A_69 = vector.broadcast %jit3A_68 : f32 to vector<1024x1024xf32>
    %select_n3A_70 = arith.select %eq3A_67, %broadcast_in_dim3A_69, %max3A_57 : vector<1024x1024xi1>, vector<1024x1024xf32>
    %swap3A_71 = arith.constant 0 : index
    %swap3A_72 = arith.constant 1024 : index
    %swap3A_73 = vector.load %arg5[%swap3A_71, %swap3A_72] : memref<1024x4096xf32, #tpu.memory_space<vmem>>, vector<1024x1024xf32>
    tpu.vector_store %arg5[%swap3A_71, %swap3A_72], %select_n3A_70 {strides = array<i32>} : memref<1024x4096xf32, #tpu.memory_space<vmem>>, vector<1024x1024xf32>,
    %reduce_min3A_74 = arith.constant dense<0x7F800000> : vector<1024xf32>
    %reduce_min3A_75 = vector.multi_reduction <minimumf>, %select_n3A_70, %reduce_min3A_74 [1] : vector<1024x1024xf32> to vector<1024xf32>
    %broadcast_in_dim3A_76 = vector.shape_cast %reduce_min3A_75 : vector<1024xf32> to vector<1024x1xf32>
    %eq3A_77 = vector.broadcast %broadcast_in_dim3A_76 : vector<1024x1xf32> to vector<1024x1024xf32>
    %eq3A_78 = arith.cmpf oeq, %select_n3A_70, %eq3A_77 : vector<1024x1024xf32>
    %convert_element_type3A_79 = arith.sitofp %add3A_66 : vector<1024x1024xi32> to vector<1024x1024xf32>
    %jit3A_80 = arith.constant 4.096000e+03 : f32
    %broadcast_in_dim3A_81 = vector.broadcast %jit3A_80 : f32 to vector<1024x1024xf32>
    %select_n3A_82 = arith.select %eq3A_78, %convert_element_type3A_79, %broadcast_in_dim3A_81 : vector<1024x1024xi1>, vector<1024x1024xf32>
    %reduce_min3A_83 = arith.constant dense<0x7F800000> : vector<1024xf32>
    %reduce_min3A_84 = vector.multi_reduction <minimumf>, %select_n3A_82, %reduce_min3A_83 [1] : vector<1024x1024xf32> to vector<1024xf32>
    %broadcast_in_dim3A_85 = vector.shape_cast %reduce_min3A_84 : vector<1024xf32> to vector<1024x1xf32>
    %get3A_86 = arith.constant 2048 : index
    %get3A_87 = arith.constant 0 : index
    %get3A_88 = vector.load %arg2[%get3A_86, %get3A_87] : memref<4096x128xf32, #tpu.memory_space<vmem>>, vector<1024x128xf32>
    %mul3A_89 = arith.mulf %get3A_88, %get3A_88 : vector<1024x128xf32>
    %reduce_sum3A_90 = arith.constant dense<0.000000e+00> : vector<1024xf32>
    %reduce_sum3A_91 = vector.multi_reduction <add>, %mul3A_89, %reduce_sum3A_90 [1] : vector<1024x128xf32> to vector<1024xf32>
    %dot_general3A_92 = arith.constant dense<0.000000e+00> : vector<1024x1024xf32>
    %dot_general3A_93 = tpu.matmul %get3A_1, %get3A_88, %dot_general3A_92 {dimension_numbers = #tpu.dot_dimension_numbers<[1], [1], [0], [0], [0, 0, 1, 0], [], []>, transpose_lhs_hint = false} : vector<1024x128xf32>, vector<1024x128xf32>, vector<1024x1024xf32> -> vector<1024x1024xf32>
    %broadcast_in_dim3A_94 = vector.shape_cast %reduce_sum3A_91 : vector<1024xf32> to vector<1x1024xf32>
    %add3A_95 = vector.broadcast %broadcast_in_dim3A : vector<1024x1xf32> to vector<1024x1024xf32>
    %add3A_96 = vector.broadcast %broadcast_in_dim3A_94 : vector<1x1024xf32> to vector<1024x1024xf32>
    %add3A_97 = arith.addf %add3A_95, %add3A_96 : vector<1024x1024xf32>
    %mul3A_98 = arith.constant 2.000000e+00 : f32
    %mul3A_99 = vector.broadcast %mul3A_98 : f32 to vector<1024x1024xf32>
    %mul3A_100 = arith.mulf %mul3A_99, %dot_general3A_93 : vector<1024x1024xf32>
    %sub3A_101 = arith.subf %add3A_97, %mul3A_100 : vector<1024x1024xf32>
    %max3A_102 = arith.constant 9.99999996E-13 : f32
    %max3A_103 = vector.broadcast %max3A_102 : f32 to vector<1024x1024xf32>
    %max3A_104 = arith.maximumf %sub3A_101, %max3A_103 : vector<1024x1024xf32>
    %iota3A_105 = tpu.iota {dimensions = array<i32: 0>} : vector<1024x1024xi32>
    %mul3A_106 = arith.constant 1024 : i32
    %mul3A_107 = arith.muli %arg0, %mul3A_106 : i32
    %add3A_108 = vector.broadcast %mul3A_107 : i32 to vector<1024x1024xi32>
    %add3A_109 = arith.addi %iota3A_105, %add3A_108 : vector<1024x1024xi32>
    %iota3A_110 = tpu.iota {dimensions = array<i32: 1>} : vector<1024x1024xi32>
    %add3A_111 = arith.constant 2048 : i32
    %add3A_112 = vector.broadcast %add3A_111 : i32 to vector<1024x1024xi32>
    %add3A_113 = arith.addi %iota3A_110, %add3A_112 : vector<1024x1024xi32>
    %eq3A_114 = arith.cmpi eq, %add3A_109, %add3A_113 : vector<1024x1024xi32>
    %jit3A_115 = arith.constant 0x7F800000 : f32
    %broadcast_in_dim3A_116 = vector.broadcast %jit3A_115 : f32 to vector<1024x1024xf32>
    %select_n3A_117 = arith.select %eq3A_114, %broadcast_in_dim3A_116, %max3A_104 : vector<1024x1024xi1>, vector<1024x1024xf32>
    %swap3A_118 = arith.constant 0 : index
    %swap3A_119 = arith.constant 2048 : index
    %swap3A_120 = vector.load %arg5[%swap3A_118, %swap3A_119] : memref<1024x4096xf32, #tpu.memory_space<vmem>>, vector<1024x1024xf32>
    tpu.vector_store %arg5[%swap3A_118, %swap3A_119], %select_n3A_117 {strides = array<i32>} : memref<1024x4096xf32, #tpu.memory_space<vmem>>, vector<1024x1024xf32>,
    %reduce_min3A_121 = arith.constant dense<0x7F800000> : vector<1024xf32>
    %reduce_min3A_122 = vector.multi_reduction <minimumf>, %select_n3A_117, %reduce_min3A_121 [1] : vector<1024x1024xf32> to vector<1024xf32>
    %broadcast_in_dim3A_123 = vector.shape_cast %reduce_min3A_122 : vector<1024xf32> to vector<1024x1xf32>
    %eq3A_124 = vector.broadcast %broadcast_in_dim3A_123 : vector<1024x1xf32> to vector<1024x1024xf32>
    %eq3A_125 = arith.cmpf oeq, %select_n3A_117, %eq3A_124 : vector<1024x1024xf32>
    %convert_element_type3A_126 = arith.sitofp %add3A_113 : vector<1024x1024xi32> to vector<1024x1024xf32>
    %jit3A_127 = arith.constant 4.096000e+03 : f32
    %broadcast_in_dim3A_128 = vector.broadcast %jit3A_127 : f32 to vector<1024x1024xf32>
    %select_n3A_129 = arith.select %eq3A_125, %convert_element_type3A_126, %broadcast_in_dim3A_128 : vector<1024x1024xi1>, vector<1024x1024xf32>
    %reduce_min3A_130 = arith.constant dense<0x7F800000> : vector<1024xf32>
    %reduce_min3A_131 = vector.multi_reduction <minimumf>, %select_n3A_129, %reduce_min3A_130 [1] : vector<1024x1024xf32> to vector<1024xf32>
    %broadcast_in_dim3A_132 = vector.shape_cast %reduce_min3A_131 : vector<1024xf32> to vector<1024x1xf32>
    %get3A_133 = arith.constant 3072 : index
    %get3A_134 = arith.constant 0 : index
    %get3A_135 = vector.load %arg2[%get3A_133, %get3A_134] : memref<4096x128xf32, #tpu.memory_space<vmem>>, vector<1024x128xf32>
    %mul3A_136 = arith.mulf %get3A_135, %get3A_135 : vector<1024x128xf32>
    %reduce_sum3A_137 = arith.constant dense<0.000000e+00> : vector<1024xf32>
    %reduce_sum3A_138 = vector.multi_reduction <add>, %mul3A_136, %reduce_sum3A_137 [1] : vector<1024x128xf32> to vector<1024xf32>
    %dot_general3A_139 = arith.constant dense<0.000000e+00> : vector<1024x1024xf32>
    %dot_general3A_140 = tpu.matmul %get3A_1, %get3A_135, %dot_general3A_139 {dimension_numbers = #tpu.dot_dimension_numbers<[1], [1], [0], [0], [0, 0, 1, 0], [], []>, transpose_lhs_hint = false} : vector<1024x128xf32>, vector<1024x128xf32>, vector<1024x1024xf32> -> vector<1024x1024xf32>
    %broadcast_in_dim3A_141 = vector.shape_cast %reduce_sum3A_138 : vector<1024xf32> to vector<1x1024xf32>
    %add3A_142 = vector.broadcast %broadcast_in_dim3A : vector<1024x1xf32> to vector<1024x1024xf32>
    %add3A_143 = vector.broadcast %broadcast_in_dim3A_141 : vector<1x1024xf32> to vector<1024x1024xf32>
    %add3A_144 = arith.addf %add3A_142, %add3A_143 : vector<1024x1024xf32>
    %mul3A_145 = arith.constant 2.000000e+00 : f32
    %mul3A_146 = vector.broadcast %mul3A_145 : f32 to vector<1024x1024xf32>
    %mul3A_147 = arith.mulf %mul3A_146, %dot_general3A_140 : vector<1024x1024xf32>
    %sub3A_148 = arith.subf %add3A_144, %mul3A_147 : vector<1024x1024xf32>
    %max3A_149 = arith.constant 9.99999996E-13 : f32
    %max3A_150 = vector.broadcast %max3A_149 : f32 to vector<1024x1024xf32>
    %max3A_151 = arith.maximumf %sub3A_148, %max3A_150 : vector<1024x1024xf32>
    %iota3A_152 = tpu.iota {dimensions = array<i32: 0>} : vector<1024x1024xi32>
    %mul3A_153 = arith.constant 1024 : i32
    %mul3A_154 = arith.muli %arg0, %mul3A_153 : i32
    %add3A_155 = vector.broadcast %mul3A_154 : i32 to vector<1024x1024xi32>
    %add3A_156 = arith.addi %iota3A_152, %add3A_155 : vector<1024x1024xi32>
    %iota3A_157 = tpu.iota {dimensions = array<i32: 1>} : vector<1024x1024xi32>
    %add3A_158 = arith.constant 3072 : i32
    %add3A_159 = vector.broadcast %add3A_158 : i32 to vector<1024x1024xi32>
    %add3A_160 = arith.addi %iota3A_157, %add3A_159 : vector<1024x1024xi32>
    %eq3A_161 = arith.cmpi eq, %add3A_156, %add3A_160 : vector<1024x1024xi32>
    %jit3A_162 = arith.constant 0x7F800000 : f32
    %broadcast_in_dim3A_163 = vector.broadcast %jit3A_162 : f32 to vector<1024x1024xf32>
    %select_n3A_164 = arith.select %eq3A_161, %broadcast_in_dim3A_163, %max3A_151 : vector<1024x1024xi1>, vector<1024x1024xf32>
    %swap3A_165 = arith.constant 0 : index
    %swap3A_166 = arith.constant 3072 : index
    %swap3A_167 = vector.load %arg5[%swap3A_165, %swap3A_166] : memref<1024x4096xf32, #tpu.memory_space<vmem>>, vector<1024x1024xf32>
    tpu.vector_store %arg5[%swap3A_165, %swap3A_166], %select_n3A_164 {strides = array<i32>} : memref<1024x4096xf32, #tpu.memory_space<vmem>>, vector<1024x1024xf32>,
    %reduce_min3A_168 = arith.constant dense<0x7F800000> : vector<1024xf32>
    %reduce_min3A_169 = vector.multi_reduction <minimumf>, %select_n3A_164, %reduce_min3A_168 [1] : vector<1024x1024xf32> to vector<1024xf32>
    %broadcast_in_dim3A_170 = vector.shape_cast %reduce_min3A_169 : vector<1024xf32> to vector<1024x1xf32>
    %eq3A_171 = vector.broadcast %broadcast_in_dim3A_170 : vector<1024x1xf32> to vector<1024x1024xf32>
    %eq3A_172 = arith.cmpf oeq, %select_n3A_164, %eq3A_171 : vector<1024x1024xf32>
    %convert_element_type3A_173 = arith.sitofp %add3A_160 : vector<1024x1024xi32> to vector<1024x1024xf32>
    %jit3A_174 = arith.constant 4.096000e+03 : f32
    %broadcast_in_dim3A_175 = vector.broadcast %jit3A_174 : f32 to vector<1024x1024xf32>
    %select_n3A_176 = arith.select %eq3A_172, %convert_element_type3A_173, %broadcast_in_dim3A_175 : vector<1024x1024xi1>, vector<1024x1024xf32>
    %reduce_min3A_177 = arith.constant dense<0x7F800000> : vector<1024xf32>
    %reduce_min3A_178 = vector.multi_reduction <minimumf>, %select_n3A_176, %reduce_min3A_177 [1] : vector<1024x1024xf32> to vector<1024xf32>
    %broadcast_in_dim3A_179 = vector.shape_cast %reduce_min3A_178 : vector<1024xf32> to vector<1024x1xf32>
    %concatenate3A = tpu.concatenate %broadcast_in_dim3A_30, %broadcast_in_dim3A_76, %broadcast_in_dim3A_123, %broadcast_in_dim3A_170 in 1 : vector<1024x1xf32>, vector<1024x1xf32>, vector<1024x1xf32>, vector<1024x1xf32> -> vector<1024x4xf32>
    %concatenate3A_180 = tpu.concatenate %broadcast_in_dim3A_38, %broadcast_in_dim3A_85, %broadcast_in_dim3A_132, %broadcast_in_dim3A_179 in 1 : vector<1024x1xf32>, vector<1024x1xf32>, vector<1024x1xf32>, vector<1024x1xf32> -> vector<1024x4xf32>
    %reduce_min3A_181 = arith.constant dense<0x7F800000> : vector<1024xf32>
    %reduce_min3A_182 = vector.multi_reduction <minimumf>, %concatenate3A, %reduce_min3A_181 [1] : vector<1024x4xf32> to vector<1024xf32>
    %broadcast_in_dim3A_183 = vector.shape_cast %reduce_min3A_182 : vector<1024xf32> to vector<1024x1xf32>
    %eq3A_184 = vector.broadcast %broadcast_in_dim3A_183 : vector<1024x1xf32> to vector<1024x4xf32>
    %eq3A_185 = arith.cmpf oeq, %concatenate3A, %eq3A_184 : vector<1024x4xf32>
    %jit3A_186 = arith.constant 4.096000e+03 : f32
    %broadcast_in_dim3A_187 = vector.broadcast %jit3A_186 : f32 to vector<1024x4xf32>
    %select_n3A_188 = arith.select %eq3A_185, %concatenate3A_180, %broadcast_in_dim3A_187 : vector<1024x4xi1>, vector<1024x4xf32>
    %reduce_min3A_189 = arith.constant dense<0x7F800000> : vector<1024xf32>
    %reduce_min3A_190 = vector.multi_reduction <minimumf>, %select_n3A_188, %reduce_min3A_189 [1] : vector<1024x4xf32> to vector<1024xf32>
    %broadcast_in_dim3A_191 = vector.shape_cast %reduce_min3A_190 : vector<1024xf32> to vector<1024x1xf32>
    %iota3A_192 = tpu.iota {dimensions = array<i32: 1>} : vector<1024x4096xi32>
    %convert_element_type3A_193 = arith.sitofp %iota3A_192 : vector<1024x4096xi32> to vector<1024x4096xf32>
    %convert_element_type3A_194 = arith.fptosi %broadcast_in_dim3A_191 : vector<1024x1xf32> to vector<1024x1xi32>
    %get3A_195 = arith.constant 0 : index
    %get3A_196 = arith.constant 0 : index
    %get3A_197 = vector.load %arg5[%get3A_195, %get3A_196] : memref<1024x4096xf32, #tpu.memory_space<vmem>>, vector<1024x4096xf32>
    %eq3A_198 = vector.broadcast %broadcast_in_dim3A_191 : vector<1024x1xf32> to vector<1024x4096xf32>
    %eq3A_199 = arith.cmpf oeq, %convert_element_type3A_193, %eq3A_198 : vector<1024x4096xf32>
    %jit3A_200 = arith.constant 0x7F800000 : f32
    %broadcast_in_dim3A_201 = vector.broadcast %jit3A_200 : f32 to vector<1024x4096xf32>
    %select_n3A_202 = arith.select %eq3A_199, %broadcast_in_dim3A_201, %get3A_197 : vector<1024x4096xi1>, vector<1024x4096xf32>
    %reduce_min3A_203 = arith.constant dense<0x7F800000> : vector<1024xf32>
    %reduce_min3A_204 = vector.multi_reduction <minimumf>, %select_n3A_202, %reduce_min3A_203 [1] : vector<1024x4096xf32> to vector<1024xf32>
    %broadcast_in_dim3A_205 = vector.shape_cast %reduce_min3A_204 : vector<1024xf32> to vector<1024x1xf32>
    %eq3A_206 = vector.broadcast %broadcast_in_dim3A_205 : vector<1024x1xf32> to vector<1024x4096xf32>
    %eq3A_207 = arith.cmpf oeq, %select_n3A_202, %eq3A_206 : vector<1024x4096xf32>
    %jit3A_208 = arith.constant 4.096000e+03 : f32
    %broadcast_in_dim3A_209 = vector.broadcast %jit3A_208 : f32 to vector<1024x4096xf32>
    %select_n3A_210 = arith.select %eq3A_207, %convert_element_type3A_193, %broadcast_in_dim3A_209 : vector<1024x4096xi1>, vector<1024x4096xf32>
    %reduce_min3A_211 = arith.constant dense<0x7F800000> : vector<1024xf32>
    %reduce_min3A_212 = vector.multi_reduction <minimumf>, %select_n3A_210, %reduce_min3A_211 [1] : vector<1024x4096xf32> to vector<1024xf32>
    %broadcast_in_dim3A_213 = vector.shape_cast %reduce_min3A_212 : vector<1024xf32> to vector<1024x1xf32>
    %convert_element_type3A_214 = arith.fptosi %broadcast_in_dim3A_213 : vector<1024x1xf32> to vector<1024x1xi32>
    %get3A_215 = arith.constant 0 : index
    %get3A_216 = arith.constant 0 : index
    %get3A_217 = vector.load %arg5[%get3A_215, %get3A_216] : memref<1024x4096xf32, #tpu.memory_space<vmem>>, vector<1024x4096xf32>
    %eq3A_218 = vector.broadcast %broadcast_in_dim3A_191 : vector<1024x1xf32> to vector<1024x4096xf32>
    %eq3A_219 = arith.cmpf oeq, %convert_element_type3A_193, %eq3A_218 : vector<1024x4096xf32>
    %jit3A_220 = arith.constant 0x7F800000 : f32
    %broadcast_in_dim3A_221 = vector.broadcast %jit3A_220 : f32 to vector<1024x4096xf32>
    %select_n3A_222 = arith.select %eq3A_219, %broadcast_in_dim3A_221, %get3A_217 : vector<1024x4096xi1>, vector<1024x4096xf32>
    %eq3A_223 = vector.broadcast %broadcast_in_dim3A_213 : vector<1024x1xf32> to vector<1024x4096xf32>
    %eq3A_224 = arith.cmpf oeq, %convert_element_type3A_193, %eq3A_223 : vector<1024x4096xf32>
    %jit3A_225 = arith.constant 0x7F800000 : f32
    %broadcast_in_dim3A_226 = vector.broadcast %jit3A_225 : f32 to vector<1024x4096xf32>
    %select_n3A_227 = arith.select %eq3A_224, %broadcast_in_dim3A_226, %select_n3A_222 : vector<1024x4096xi1>, vector<1024x4096xf32>
    %reduce_min3A_228 = arith.constant dense<0x7F800000> : vector<1024xf32>
    %reduce_min3A_229 = vector.multi_reduction <minimumf>, %select_n3A_227, %reduce_min3A_228 [1] : vector<1024x4096xf32> to vector<1024xf32>
    %broadcast_in_dim3A_230 = vector.shape_cast %reduce_min3A_229 : vector<1024xf32> to vector<1024x1xf32>
    %eq3A_231 = vector.broadcast %broadcast_in_dim3A_230 : vector<1024x1xf32> to vector<1024x4096xf32>
    %eq3A_232 = arith.cmpf oeq, %select_n3A_227, %eq3A_231 : vector<1024x4096xf32>
    %jit3A_233 = arith.constant 4.096000e+03 : f32
    %broadcast_in_dim3A_234 = vector.broadcast %jit3A_233 : f32 to vector<1024x4096xf32>
    %select_n3A_235 = arith.select %eq3A_232, %convert_element_type3A_193, %broadcast_in_dim3A_234 : vector<1024x4096xi1>, vector<1024x4096xf32>
    %reduce_min3A_236 = arith.constant dense<0x7F800000> : vector<1024xf32>
    %reduce_min3A_237 = vector.multi_reduction <minimumf>, %select_n3A_235, %reduce_min3A_236 [1] : vector<1024x4096xf32> to vector<1024xf32>
    %broadcast_in_dim3A_238 = vector.shape_cast %reduce_min3A_237 : vector<1024xf32> to vector<1024x1xf32>
    %convert_element_type3A_239 = arith.fptosi %broadcast_in_dim3A_238 : vector<1024x1xf32> to vector<1024x1xi32>
    %get3A_240 = arith.constant 0 : index
    %get3A_241 = arith.constant 0 : index
    %get3A_242 = vector.load %arg5[%get3A_240, %get3A_241] : memref<1024x4096xf32, #tpu.memory_space<vmem>>, vector<1024x4096xf32>
    %eq3A_243 = vector.broadcast %broadcast_in_dim3A_191 : vector<1024x1xf32> to vector<1024x4096xf32>
    %eq3A_244 = arith.cmpf oeq, %convert_element_type3A_193, %eq3A_243 : vector<1024x4096xf32>
    %jit3A_245 = arith.constant 0x7F800000 : f32
    %broadcast_in_dim3A_246 = vector.broadcast %jit3A_245 : f32 to vector<1024x4096xf32>
    %select_n3A_247 = arith.select %eq3A_244, %broadcast_in_dim3A_246, %get3A_242 : vector<1024x4096xi1>, vector<1024x4096xf32>
    %eq3A_248 = vector.broadcast %broadcast_in_dim3A_213 : vector<1024x1xf32> to vector<1024x4096xf32>
    %eq3A_249 = arith.cmpf oeq, %convert_element_type3A_193, %eq3A_248 : vector<1024x4096xf32>
    %jit3A_250 = arith.constant 0x7F800000 : f32
    %broadcast_in_dim3A_251 = vector.broadcast %jit3A_250 : f32 to vector<1024x4096xf32>
    %select_n3A_252 = arith.select %eq3A_249, %broadcast_in_dim3A_251, %select_n3A_247 : vector<1024x4096xi1>, vector<1024x4096xf32>
    %eq3A_253 = vector.broadcast %broadcast_in_dim3A_238 : vector<1024x1xf32> to vector<1024x4096xf32>
    %eq3A_254 = arith.cmpf oeq, %convert_element_type3A_193, %eq3A_253 : vector<1024x4096xf32>
    %jit3A_255 = arith.constant 0x7F800000 : f32
    %broadcast_in_dim3A_256 = vector.broadcast %jit3A_255 : f32 to vector<1024x4096xf32>
    %select_n3A_257 = arith.select %eq3A_254, %broadcast_in_dim3A_256, %select_n3A_252 : vector<1024x4096xi1>, vector<1024x4096xf32>
    %reduce_min3A_258 = arith.constant dense<0x7F800000> : vector<1024xf32>
    %reduce_min3A_259 = vector.multi_reduction <minimumf>, %select_n3A_257, %reduce_min3A_258 [1] : vector<1024x4096xf32> to vector<1024xf32>
    %broadcast_in_dim3A_260 = vector.shape_cast %reduce_min3A_259 : vector<1024xf32> to vector<1024x1xf32>
    %eq3A_261 = vector.broadcast %broadcast_in_dim3A_260 : vector<1024x1xf32> to vector<1024x4096xf32>
    %eq3A_262 = arith.cmpf oeq, %select_n3A_257, %eq3A_261 : vector<1024x4096xf32>
    %jit3A_263 = arith.constant 4.096000e+03 : f32
    %broadcast_in_dim3A_264 = vector.broadcast %jit3A_263 : f32 to vector<1024x4096xf32>
    %select_n3A_265 = arith.select %eq3A_262, %convert_element_type3A_193, %broadcast_in_dim3A_264 : vector<1024x4096xi1>, vector<1024x4096xf32>
    %reduce_min3A_266 = arith.constant dense<0x7F800000> : vector<1024xf32>
    %reduce_min3A_267 = vector.multi_reduction <minimumf>, %select_n3A_265, %reduce_min3A_266 [1] : vector<1024x4096xf32> to vector<1024xf32>
    %broadcast_in_dim3A_268 = vector.shape_cast %reduce_min3A_267 : vector<1024xf32> to vector<1024x1xf32>
    %convert_element_type3A_269 = arith.fptosi %broadcast_in_dim3A_268 : vector<1024x1xf32> to vector<1024x1xi32>
    %get3A_270 = arith.constant 0 : index
    %get3A_271 = arith.constant 0 : index
    %get3A_272 = vector.load %arg5[%get3A_270, %get3A_271] : memref<1024x4096xf32, #tpu.memory_space<vmem>>, vector<1024x4096xf32>
    %eq3A_273 = vector.broadcast %broadcast_in_dim3A_191 : vector<1024x1xf32> to vector<1024x4096xf32>
    %eq3A_274 = arith.cmpf oeq, %convert_element_type3A_193, %eq3A_273 : vector<1024x4096xf32>
    %jit3A_275 = arith.constant 0x7F800000 : f32
    %broadcast_in_dim3A_276 = vector.broadcast %jit3A_275 : f32 to vector<1024x4096xf32>
    %select_n3A_277 = arith.select %eq3A_274, %broadcast_in_dim3A_276, %get3A_272 : vector<1024x4096xi1>, vector<1024x4096xf32>
    %eq3A_278 = vector.broadcast %broadcast_in_dim3A_213 : vector<1024x1xf32> to vector<1024x4096xf32>
    %eq3A_279 = arith.cmpf oeq, %convert_element_type3A_193, %eq3A_278 : vector<1024x4096xf32>
    %jit3A_280 = arith.constant 0x7F800000 : f32
    %broadcast_in_dim3A_281 = vector.broadcast %jit3A_280 : f32 to vector<1024x4096xf32>
    %select_n3A_282 = arith.select %eq3A_279, %broadcast_in_dim3A_281, %select_n3A_277 : vector<1024x4096xi1>, vector<1024x4096xf32>
    %eq3A_283 = vector.broadcast %broadcast_in_dim3A_238 : vector<1024x1xf32> to vector<1024x4096xf32>
    %eq3A_284 = arith.cmpf oeq, %convert_element_type3A_193, %eq3A_283 : vector<1024x4096xf32>
    %jit3A_285 = arith.constant 0x7F800000 : f32
    %broadcast_in_dim3A_286 = vector.broadcast %jit3A_285 : f32 to vector<1024x4096xf32>
    %select_n3A_287 = arith.select %eq3A_284, %broadcast_in_dim3A_286, %select_n3A_282 : vector<1024x4096xi1>, vector<1024x4096xf32>
    %eq3A_288 = vector.broadcast %broadcast_in_dim3A_268 : vector<1024x1xf32> to vector<1024x4096xf32>
    %eq3A_289 = arith.cmpf oeq, %convert_element_type3A_193, %eq3A_288 : vector<1024x4096xf32>
    %jit3A_290 = arith.constant 0x7F800000 : f32
    %broadcast_in_dim3A_291 = vector.broadcast %jit3A_290 : f32 to vector<1024x4096xf32>
    %select_n3A_292 = arith.select %eq3A_289, %broadcast_in_dim3A_291, %select_n3A_287 : vector<1024x4096xi1>, vector<1024x4096xf32>
    %reduce_min3A_293 = arith.constant dense<0x7F800000> : vector<1024xf32>
    %reduce_min3A_294 = vector.multi_reduction <minimumf>, %select_n3A_292, %reduce_min3A_293 [1] : vector<1024x4096xf32> to vector<1024xf32>
    %broadcast_in_dim3A_295 = vector.shape_cast %reduce_min3A_294 : vector<1024xf32> to vector<1024x1xf32>
    %eq3A_296 = vector.broadcast %broadcast_in_dim3A_295 : vector<1024x1xf32> to vector<1024x4096xf32>
    %eq3A_297 = arith.cmpf oeq, %select_n3A_292, %eq3A_296 : vector<1024x4096xf32>
    %jit3A_298 = arith.constant 4.096000e+03 : f32
    %broadcast_in_dim3A_299 = vector.broadcast %jit3A_298 : f32 to vector<1024x4096xf32>
    %select_n3A_300 = arith.select %eq3A_297, %convert_element_type3A_193, %broadcast_in_dim3A_299 : vector<1024x4096xi1>, vector<1024x4096xf32>
    %reduce_min3A_301 = arith.constant dense<0x7F800000> : vector<1024xf32>
    %reduce_min3A_302 = vector.multi_reduction <minimumf>, %select_n3A_300, %reduce_min3A_301 [1] : vector<1024x4096xf32> to vector<1024xf32>
    %broadcast_in_dim3A_303 = vector.shape_cast %reduce_min3A_302 : vector<1024xf32> to vector<1024x1xf32>
    %convert_element_type3A_304 = arith.fptosi %broadcast_in_dim3A_303 : vector<1024x1xf32> to vector<1024x1xi32>
    %concatenate3A_305 = tpu.concatenate %broadcast_in_dim3A_183, %broadcast_in_dim3A_205, %broadcast_in_dim3A_230, %broadcast_in_dim3A_260, %broadcast_in_dim3A_295 in 1 : vector<1024x1xf32>, vector<1024x1xf32>, vector<1024x1xf32>, vector<1024x1xf32>, vector<1024x1xf32> -> vector<1024x5xf32>
    %sqrt3A = math.sqrt %concatenate3A_305 : vector<1024x5xf32>
    %add3A_306 = arith.constant 1.000000e-07 : f32
    %add3A_307 = vector.broadcast %add3A_306 : f32 to vector<1024x5xf32>
    %add3A_308 = arith.addf %sqrt3A, %add3A_307 : vector<1024x5xf32>
    %log3A = math.log %add3A_308 : vector<1024x5xf32>
    %reduce_sum3A_309 = arith.constant dense<0.000000e+00> : vector<1024xf32>
    %reduce_sum3A_310 = vector.multi_reduction <add>, %log3A, %reduce_sum3A_309 [1] : vector<1024x5xf32> to vector<1024xf32>
    %broadcast_in_dim3A_311 = vector.shape_cast %reduce_sum3A_310 : vector<1024xf32> to vector<1024x1xf32>
    %slice3A = vector.extract_strided_slice %log3A {offsets = [0, 4], sizes = [1024, 1], strides = [1, 1]} : vector<1024x5xf32> to vector<1024x1xf32>
    %mul3A_312 = arith.constant 5.000000e+00 : f32
    %mul3A_313 = vector.broadcast %mul3A_312 : f32 to vector<1024x1xf32>
    %mul3A_314 = arith.mulf %mul3A_313, %slice3A : vector<1024x1xf32>
    %sub3A_315 = arith.subf %broadcast_in_dim3A_311, %mul3A_314 : vector<1024x1xf32>
    %neg3A = arith.constant 0.000000e+00 : f32
    %neg3A_316 = vector.broadcast %neg3A : f32 to vector<1024x1xf32>
    %neg3A_317 = arith.subf %neg3A_316, %sub3A_315 : vector<1024x1xf32>
    %div3A = arith.constant 2.30258512 : f32
    %div3A_318 = vector.broadcast %div3A : f32 to vector<1024x1xf32>
    %div3A_319 = arith.divf %neg3A_317, %div3A_318 : vector<1024x1xf32>
    %broadcast_in_dim3A_320 = arith.constant 0 : i32
    %broadcast_in_dim3A_321 = vector.broadcast %broadcast_in_dim3A_320 : i32 to vector<1024x3xi32>
    %concatenate3A_322 = tpu.concatenate %convert_element_type3A_194, %convert_element_type3A_214, %convert_element_type3A_239, %convert_element_type3A_269, %convert_element_type3A_304, %broadcast_in_dim3A_321 in 1 : vector<1024x1xi32>, vector<1024x1xi32>, vector<1024x1xi32>, vector<1024x1xi32>, vector<1024x1xi32>, vector<1024x3xi32> -> vector<1024x8xi32>
    %swap3A_323 = arith.constant 0 : index
    %swap3A_324 = arith.constant 0 : index
    %swap3A_325 = vector.load %arg3[%swap3A_323, %swap3A_324] : memref<1024x8xi32, #tpu.memory_space<vmem>>, vector<1024x8xi32>
    tpu.vector_store %arg3[%swap3A_323, %swap3A_324], %concatenate3A_322 {strides = array<i32>} : memref<1024x8xi32, #tpu.memory_space<vmem>>, vector<1024x8xi32>,
    %broadcast_in_dim3A_326 = vector.shape_cast %div3A_319 : vector<1024x1xf32> to vector<1024x1xf32>
    %broadcast_in_dim3A_327 = vector.broadcast %broadcast_in_dim3A_326 : vector<1024x1xf32> to vector<1024x8xf32>
    %swap3A_328 = arith.constant 0 : index
    %swap3A_329 = arith.constant 0 : index
    %swap3A_330 = vector.load %arg4[%swap3A_328, %swap3A_329] : memref<1024x8xf32, #tpu.memory_space<vmem>>, vector<1024x8xf32>
    tpu.vector_store %arg4[%swap3A_328, %swap3A_329], %broadcast_in_dim3A_327 {strides = array<i32>} : memref<1024x8xf32, #tpu.memory_space<vmem>>, vector<1024x8xf32>,
    return
  }
  func.func @transform_0(%arg0: i32) -> (i32, i32) {
    %c0_i32 = arith.constant 0 : i32
    %c0_i32_0 = arith.constant 0 : i32
    return %arg0, %c0_i32 : i32, i32
  }
  func.func @transform_1(%arg0: i32) -> (i32, i32) {
    %c0_i32 = arith.constant 0 : i32
    %c0_i32_0 = arith.constant 0 : i32
    %c0_i32_1 = arith.constant 0 : i32
    return %c0_i32, %c0_i32_0 : i32, i32
  }
  func.func @transform_2(%arg0: i32) -> (i32, i32) {
    %c0_i32 = arith.constant 0 : i32
    %c0_i32_0 = arith.constant 0 : i32
    return %arg0, %c0_i32 : i32, i32
  }
  func.func @transform_3(%arg0: i32) -> (i32, i32) {
    %c0_i32 = arith.constant 0 : i32
    %c0_i32_0 = arith.constant 0 : i32
    return %arg0, %c0_i32 : i32, i32
  }
}

module attributes {stable_mosaic.version = 14 : i64} {
  func.func @_lid_loss_body(%arg0: memref<4096x64xf32, #tpu.memory_space<vmem>>, %arg1: memref<4096x640xf32, #tpu.memory_space<vmem>>, %arg2: memref<4096x8xf32, #tpu.memory_space<vmem>>, %arg3: memref<4096x8xi32, #tpu.memory_space<vmem>>, %arg4: memref<1x1xf32, #tpu.memory_space<vmem>>) attributes {dimension_semantics = [], scalar_prefetch = 0 : i64, scratch_operands = 0 : i64, tpu.core_type = #tpu.core_type<tc>} {
    %get3A = arith.constant 0 : index
    %get3A_0 = arith.constant 0 : index
    %get3A_1 = vector.load %arg0[%get3A, %get3A_0] : memref<4096x64xf32, #tpu.memory_space<vmem>>, vector<4096x64xf32>
    %mul3A = arith.mulf %get3A_1, %get3A_1 : vector<4096x64xf32>
    %reduce_sum3A = arith.constant dense<0.000000e+00> : vector<4096xf32>
    %reduce_sum3A_2 = vector.multi_reduction <add>, %mul3A, %reduce_sum3A [1] : vector<4096x64xf32> to vector<4096xf32>
    %broadcast_in_dim3A = vector.shape_cast %reduce_sum3A_2 : vector<4096xf32> to vector<4096x1xf32>
    %concatenate3A = tpu.concatenate %get3A_1, %get3A_1 in 1 : vector<4096x64xf32>, vector<4096x64xf32> -> vector<4096x128xf32>
    %iota3A = tpu.iota {dimensions = array<i32: 1>} : vector<4096x128xi32>
    %lt3A = arith.constant 64 : i32
    %lt3A_3 = vector.broadcast %lt3A : i32 to vector<4096x128xi32>
    %lt3A_4 = arith.cmpi slt, %iota3A, %lt3A_3 : vector<4096x128xi32>
    %get3A_5 = arith.constant 0 : index
    %get3A_6 = arith.constant 0 : index
    %get3A_7 = vector.load %arg1[%get3A_5, %get3A_6] : memref<4096x640xf32, #tpu.memory_space<vmem>>, vector<4096x128xf32>
    %get3A_8 = arith.constant 0 : index
    %get3A_9 = arith.constant 0 : index
    %get3A_10 = vector.load %arg3[%get3A_8, %get3A_9] : memref<4096x8xi32, #tpu.memory_space<vmem>>, vector<4096x1xi32>
    %and3A = arith.constant 1 : i32
    %and3A_11 = vector.broadcast %and3A : i32 to vector<4096x1xi32>
    %and3A_12 = arith.andi %get3A_10, %and3A_11 : vector<4096x1xi32>
    %eq3A = arith.constant 1 : i32
    %eq3A_13 = vector.broadcast %eq3A : i32 to vector<4096x1xi32>
    %eq3A_14 = arith.cmpi eq, %and3A_12, %eq3A_13 : vector<4096x1xi32>
    %xor3A = vector.broadcast %eq3A_14 : vector<4096x1xi1> to vector<4096x128xi1>
    %xor3A_15 = arith.xori %xor3A, %lt3A_4 : vector<4096x128xi1>
    %mul3A_16 = arith.mulf %concatenate3A, %get3A_7 : vector<4096x128xf32>
    %jit3A = arith.constant 0.000000e+00 : f32
    %broadcast_in_dim3A_17 = vector.broadcast %jit3A : f32 to vector<4096x128xf32>
    %select_n3A = arith.select %xor3A_15, %mul3A_16, %broadcast_in_dim3A_17 : vector<4096x128xi1>, vector<4096x128xf32>
    %reduce_sum3A_18 = arith.constant dense<0.000000e+00> : vector<4096xf32>
    %reduce_sum3A_19 = vector.multi_reduction <add>, %select_n3A, %reduce_sum3A_18 [1] : vector<4096x128xf32> to vector<4096xf32>
    %broadcast_in_dim3A_20 = vector.shape_cast %reduce_sum3A_19 : vector<4096xf32> to vector<4096x1xf32>
    %mul3A_21 = arith.mulf %get3A_7, %get3A_7 : vector<4096x128xf32>
    %jit3A_22 = arith.constant 0.000000e+00 : f32
    %broadcast_in_dim3A_23 = vector.broadcast %jit3A_22 : f32 to vector<4096x128xf32>
    %select_n3A_24 = arith.select %xor3A_15, %mul3A_21, %broadcast_in_dim3A_23 : vector<4096x128xi1>, vector<4096x128xf32>
    %reduce_sum3A_25 = arith.constant dense<0.000000e+00> : vector<4096xf32>
    %reduce_sum3A_26 = vector.multi_reduction <add>, %select_n3A_24, %reduce_sum3A_25 [1] : vector<4096x128xf32> to vector<4096xf32>
    %broadcast_in_dim3A_27 = vector.shape_cast %reduce_sum3A_26 : vector<4096xf32> to vector<4096x1xf32>
    %add3A = arith.addf %broadcast_in_dim3A, %broadcast_in_dim3A_27 : vector<4096x1xf32>
    %mul3A_28 = arith.constant 2.000000e+00 : f32
    %mul3A_29 = vector.broadcast %mul3A_28 : f32 to vector<4096x1xf32>
    %mul3A_30 = arith.mulf %mul3A_29, %broadcast_in_dim3A_20 : vector<4096x1xf32>
    %sub3A = arith.subf %add3A, %mul3A_30 : vector<4096x1xf32>
    %max3A = arith.constant 9.99999996E-13 : f32
    %max3A_31 = vector.broadcast %max3A : f32 to vector<4096x1xf32>
    %max3A_32 = arith.maximumf %sub3A, %max3A_31 : vector<4096x1xf32>
    %sqrt3A = math.sqrt %max3A_32 : vector<4096x1xf32>
    %add3A_33 = arith.constant 1.000000e-07 : f32
    %add3A_34 = vector.broadcast %add3A_33 : f32 to vector<4096x1xf32>
    %add3A_35 = arith.addf %sqrt3A, %add3A_34 : vector<4096x1xf32>
    %log3A = math.log %add3A_35 : vector<4096x1xf32>
    %get3A_36 = arith.constant 0 : index
    %get3A_37 = arith.constant 128 : index
    %get3A_38 = vector.load %arg1[%get3A_36, %get3A_37] : memref<4096x640xf32, #tpu.memory_space<vmem>>, vector<4096x128xf32>
    %get3A_39 = arith.constant 0 : index
    %get3A_40 = arith.constant 1 : index
    %get3A_41 = vector.load %arg3[%get3A_39, %get3A_40] : memref<4096x8xi32, #tpu.memory_space<vmem>>, vector<4096x1xi32>
    %and3A_42 = arith.constant 1 : i32
    %and3A_43 = vector.broadcast %and3A_42 : i32 to vector<4096x1xi32>
    %and3A_44 = arith.andi %get3A_41, %and3A_43 : vector<4096x1xi32>
    %eq3A_45 = arith.constant 1 : i32
    %eq3A_46 = vector.broadcast %eq3A_45 : i32 to vector<4096x1xi32>
    %eq3A_47 = arith.cmpi eq, %and3A_44, %eq3A_46 : vector<4096x1xi32>
    %xor3A_48 = vector.broadcast %eq3A_47 : vector<4096x1xi1> to vector<4096x128xi1>
    %xor3A_49 = arith.xori %xor3A_48, %lt3A_4 : vector<4096x128xi1>
    %mul3A_50 = arith.mulf %concatenate3A, %get3A_38 : vector<4096x128xf32>
    %jit3A_51 = arith.constant 0.000000e+00 : f32
    %broadcast_in_dim3A_52 = vector.broadcast %jit3A_51 : f32 to vector<4096x128xf32>
    %select_n3A_53 = arith.select %xor3A_49, %mul3A_50, %broadcast_in_dim3A_52 : vector<4096x128xi1>, vector<4096x128xf32>
    %reduce_sum3A_54 = arith.constant dense<0.000000e+00> : vector<4096xf32>
    %reduce_sum3A_55 = vector.multi_reduction <add>, %select_n3A_53, %reduce_sum3A_54 [1] : vector<4096x128xf32> to vector<4096xf32>
    %broadcast_in_dim3A_56 = vector.shape_cast %reduce_sum3A_55 : vector<4096xf32> to vector<4096x1xf32>
    %mul3A_57 = arith.mulf %get3A_38, %get3A_38 : vector<4096x128xf32>
    %jit3A_58 = arith.constant 0.000000e+00 : f32
    %broadcast_in_dim3A_59 = vector.broadcast %jit3A_58 : f32 to vector<4096x128xf32>
    %select_n3A_60 = arith.select %xor3A_49, %mul3A_57, %broadcast_in_dim3A_59 : vector<4096x128xi1>, vector<4096x128xf32>
    %reduce_sum3A_61 = arith.constant dense<0.000000e+00> : vector<4096xf32>
    %reduce_sum3A_62 = vector.multi_reduction <add>, %select_n3A_60, %reduce_sum3A_61 [1] : vector<4096x128xf32> to vector<4096xf32>
    %broadcast_in_dim3A_63 = vector.shape_cast %reduce_sum3A_62 : vector<4096xf32> to vector<4096x1xf32>
    %add3A_64 = arith.addf %broadcast_in_dim3A, %broadcast_in_dim3A_63 : vector<4096x1xf32>
    %mul3A_65 = arith.constant 2.000000e+00 : f32
    %mul3A_66 = vector.broadcast %mul3A_65 : f32 to vector<4096x1xf32>
    %mul3A_67 = arith.mulf %mul3A_66, %broadcast_in_dim3A_56 : vector<4096x1xf32>
    %sub3A_68 = arith.subf %add3A_64, %mul3A_67 : vector<4096x1xf32>
    %max3A_69 = arith.constant 9.99999996E-13 : f32
    %max3A_70 = vector.broadcast %max3A_69 : f32 to vector<4096x1xf32>
    %max3A_71 = arith.maximumf %sub3A_68, %max3A_70 : vector<4096x1xf32>
    %sqrt3A_72 = math.sqrt %max3A_71 : vector<4096x1xf32>
    %add3A_73 = arith.constant 1.000000e-07 : f32
    %add3A_74 = vector.broadcast %add3A_73 : f32 to vector<4096x1xf32>
    %add3A_75 = arith.addf %sqrt3A_72, %add3A_74 : vector<4096x1xf32>
    %log3A_76 = math.log %add3A_75 : vector<4096x1xf32>
    %get3A_77 = arith.constant 0 : index
    %get3A_78 = arith.constant 256 : index
    %get3A_79 = vector.load %arg1[%get3A_77, %get3A_78] : memref<4096x640xf32, #tpu.memory_space<vmem>>, vector<4096x128xf32>
    %get3A_80 = arith.constant 0 : index
    %get3A_81 = arith.constant 2 : index
    %get3A_82 = vector.load %arg3[%get3A_80, %get3A_81] : memref<4096x8xi32, #tpu.memory_space<vmem>>, vector<4096x1xi32>
    %and3A_83 = arith.constant 1 : i32
    %and3A_84 = vector.broadcast %and3A_83 : i32 to vector<4096x1xi32>
    %and3A_85 = arith.andi %get3A_82, %and3A_84 : vector<4096x1xi32>
    %eq3A_86 = arith.constant 1 : i32
    %eq3A_87 = vector.broadcast %eq3A_86 : i32 to vector<4096x1xi32>
    %eq3A_88 = arith.cmpi eq, %and3A_85, %eq3A_87 : vector<4096x1xi32>
    %xor3A_89 = vector.broadcast %eq3A_88 : vector<4096x1xi1> to vector<4096x128xi1>
    %xor3A_90 = arith.xori %xor3A_89, %lt3A_4 : vector<4096x128xi1>
    %mul3A_91 = arith.mulf %concatenate3A, %get3A_79 : vector<4096x128xf32>
    %jit3A_92 = arith.constant 0.000000e+00 : f32
    %broadcast_in_dim3A_93 = vector.broadcast %jit3A_92 : f32 to vector<4096x128xf32>
    %select_n3A_94 = arith.select %xor3A_90, %mul3A_91, %broadcast_in_dim3A_93 : vector<4096x128xi1>, vector<4096x128xf32>
    %reduce_sum3A_95 = arith.constant dense<0.000000e+00> : vector<4096xf32>
    %reduce_sum3A_96 = vector.multi_reduction <add>, %select_n3A_94, %reduce_sum3A_95 [1] : vector<4096x128xf32> to vector<4096xf32>
    %broadcast_in_dim3A_97 = vector.shape_cast %reduce_sum3A_96 : vector<4096xf32> to vector<4096x1xf32>
    %mul3A_98 = arith.mulf %get3A_79, %get3A_79 : vector<4096x128xf32>
    %jit3A_99 = arith.constant 0.000000e+00 : f32
    %broadcast_in_dim3A_100 = vector.broadcast %jit3A_99 : f32 to vector<4096x128xf32>
    %select_n3A_101 = arith.select %xor3A_90, %mul3A_98, %broadcast_in_dim3A_100 : vector<4096x128xi1>, vector<4096x128xf32>
    %reduce_sum3A_102 = arith.constant dense<0.000000e+00> : vector<4096xf32>
    %reduce_sum3A_103 = vector.multi_reduction <add>, %select_n3A_101, %reduce_sum3A_102 [1] : vector<4096x128xf32> to vector<4096xf32>
    %broadcast_in_dim3A_104 = vector.shape_cast %reduce_sum3A_103 : vector<4096xf32> to vector<4096x1xf32>
    %add3A_105 = arith.addf %broadcast_in_dim3A, %broadcast_in_dim3A_104 : vector<4096x1xf32>
    %mul3A_106 = arith.constant 2.000000e+00 : f32
    %mul3A_107 = vector.broadcast %mul3A_106 : f32 to vector<4096x1xf32>
    %mul3A_108 = arith.mulf %mul3A_107, %broadcast_in_dim3A_97 : vector<4096x1xf32>
    %sub3A_109 = arith.subf %add3A_105, %mul3A_108 : vector<4096x1xf32>
    %max3A_110 = arith.constant 9.99999996E-13 : f32
    %max3A_111 = vector.broadcast %max3A_110 : f32 to vector<4096x1xf32>
    %max3A_112 = arith.maximumf %sub3A_109, %max3A_111 : vector<4096x1xf32>
    %sqrt3A_113 = math.sqrt %max3A_112 : vector<4096x1xf32>
    %add3A_114 = arith.constant 1.000000e-07 : f32
    %add3A_115 = vector.broadcast %add3A_114 : f32 to vector<4096x1xf32>
    %add3A_116 = arith.addf %sqrt3A_113, %add3A_115 : vector<4096x1xf32>
    %log3A_117 = math.log %add3A_116 : vector<4096x1xf32>
    %get3A_118 = arith.constant 0 : index
    %get3A_119 = arith.constant 384 : index
    %get3A_120 = vector.load %arg1[%get3A_118, %get3A_119] : memref<4096x640xf32, #tpu.memory_space<vmem>>, vector<4096x128xf32>
    %get3A_121 = arith.constant 0 : index
    %get3A_122 = arith.constant 3 : index
    %get3A_123 = vector.load %arg3[%get3A_121, %get3A_122] : memref<4096x8xi32, #tpu.memory_space<vmem>>, vector<4096x1xi32>
    %and3A_124 = arith.constant 1 : i32
    %and3A_125 = vector.broadcast %and3A_124 : i32 to vector<4096x1xi32>
    %and3A_126 = arith.andi %get3A_123, %and3A_125 : vector<4096x1xi32>
    %eq3A_127 = arith.constant 1 : i32
    %eq3A_128 = vector.broadcast %eq3A_127 : i32 to vector<4096x1xi32>
    %eq3A_129 = arith.cmpi eq, %and3A_126, %eq3A_128 : vector<4096x1xi32>
    %xor3A_130 = vector.broadcast %eq3A_129 : vector<4096x1xi1> to vector<4096x128xi1>
    %xor3A_131 = arith.xori %xor3A_130, %lt3A_4 : vector<4096x128xi1>
    %mul3A_132 = arith.mulf %concatenate3A, %get3A_120 : vector<4096x128xf32>
    %jit3A_133 = arith.constant 0.000000e+00 : f32
    %broadcast_in_dim3A_134 = vector.broadcast %jit3A_133 : f32 to vector<4096x128xf32>
    %select_n3A_135 = arith.select %xor3A_131, %mul3A_132, %broadcast_in_dim3A_134 : vector<4096x128xi1>, vector<4096x128xf32>
    %reduce_sum3A_136 = arith.constant dense<0.000000e+00> : vector<4096xf32>
    %reduce_sum3A_137 = vector.multi_reduction <add>, %select_n3A_135, %reduce_sum3A_136 [1] : vector<4096x128xf32> to vector<4096xf32>
    %broadcast_in_dim3A_138 = vector.shape_cast %reduce_sum3A_137 : vector<4096xf32> to vector<4096x1xf32>
    %mul3A_139 = arith.mulf %get3A_120, %get3A_120 : vector<4096x128xf32>
    %jit3A_140 = arith.constant 0.000000e+00 : f32
    %broadcast_in_dim3A_141 = vector.broadcast %jit3A_140 : f32 to vector<4096x128xf32>
    %select_n3A_142 = arith.select %xor3A_131, %mul3A_139, %broadcast_in_dim3A_141 : vector<4096x128xi1>, vector<4096x128xf32>
    %reduce_sum3A_143 = arith.constant dense<0.000000e+00> : vector<4096xf32>
    %reduce_sum3A_144 = vector.multi_reduction <add>, %select_n3A_142, %reduce_sum3A_143 [1] : vector<4096x128xf32> to vector<4096xf32>
    %broadcast_in_dim3A_145 = vector.shape_cast %reduce_sum3A_144 : vector<4096xf32> to vector<4096x1xf32>
    %add3A_146 = arith.addf %broadcast_in_dim3A, %broadcast_in_dim3A_145 : vector<4096x1xf32>
    %mul3A_147 = arith.constant 2.000000e+00 : f32
    %mul3A_148 = vector.broadcast %mul3A_147 : f32 to vector<4096x1xf32>
    %mul3A_149 = arith.mulf %mul3A_148, %broadcast_in_dim3A_138 : vector<4096x1xf32>
    %sub3A_150 = arith.subf %add3A_146, %mul3A_149 : vector<4096x1xf32>
    %max3A_151 = arith.constant 9.99999996E-13 : f32
    %max3A_152 = vector.broadcast %max3A_151 : f32 to vector<4096x1xf32>
    %max3A_153 = arith.maximumf %sub3A_150, %max3A_152 : vector<4096x1xf32>
    %sqrt3A_154 = math.sqrt %max3A_153 : vector<4096x1xf32>
    %add3A_155 = arith.constant 1.000000e-07 : f32
    %add3A_156 = vector.broadcast %add3A_155 : f32 to vector<4096x1xf32>
    %add3A_157 = arith.addf %sqrt3A_154, %add3A_156 : vector<4096x1xf32>
    %log3A_158 = math.log %add3A_157 : vector<4096x1xf32>
    %get3A_159 = arith.constant 0 : index
    %get3A_160 = arith.constant 512 : index
    %get3A_161 = vector.load %arg1[%get3A_159, %get3A_160] : memref<4096x640xf32, #tpu.memory_space<vmem>>, vector<4096x128xf32>
    %get3A_162 = arith.constant 0 : index
    %get3A_163 = arith.constant 4 : index
    %get3A_164 = vector.load %arg3[%get3A_162, %get3A_163] : memref<4096x8xi32, #tpu.memory_space<vmem>>, vector<4096x1xi32>
    %and3A_165 = arith.constant 1 : i32
    %and3A_166 = vector.broadcast %and3A_165 : i32 to vector<4096x1xi32>
    %and3A_167 = arith.andi %get3A_164, %and3A_166 : vector<4096x1xi32>
    %eq3A_168 = arith.constant 1 : i32
    %eq3A_169 = vector.broadcast %eq3A_168 : i32 to vector<4096x1xi32>
    %eq3A_170 = arith.cmpi eq, %and3A_167, %eq3A_169 : vector<4096x1xi32>
    %xor3A_171 = vector.broadcast %eq3A_170 : vector<4096x1xi1> to vector<4096x128xi1>
    %xor3A_172 = arith.xori %xor3A_171, %lt3A_4 : vector<4096x128xi1>
    %mul3A_173 = arith.mulf %concatenate3A, %get3A_161 : vector<4096x128xf32>
    %jit3A_174 = arith.constant 0.000000e+00 : f32
    %broadcast_in_dim3A_175 = vector.broadcast %jit3A_174 : f32 to vector<4096x128xf32>
    %select_n3A_176 = arith.select %xor3A_172, %mul3A_173, %broadcast_in_dim3A_175 : vector<4096x128xi1>, vector<4096x128xf32>
    %reduce_sum3A_177 = arith.constant dense<0.000000e+00> : vector<4096xf32>
    %reduce_sum3A_178 = vector.multi_reduction <add>, %select_n3A_176, %reduce_sum3A_177 [1] : vector<4096x128xf32> to vector<4096xf32>
    %broadcast_in_dim3A_179 = vector.shape_cast %reduce_sum3A_178 : vector<4096xf32> to vector<4096x1xf32>
    %mul3A_180 = arith.mulf %get3A_161, %get3A_161 : vector<4096x128xf32>
    %jit3A_181 = arith.constant 0.000000e+00 : f32
    %broadcast_in_dim3A_182 = vector.broadcast %jit3A_181 : f32 to vector<4096x128xf32>
    %select_n3A_183 = arith.select %xor3A_172, %mul3A_180, %broadcast_in_dim3A_182 : vector<4096x128xi1>, vector<4096x128xf32>
    %reduce_sum3A_184 = arith.constant dense<0.000000e+00> : vector<4096xf32>
    %reduce_sum3A_185 = vector.multi_reduction <add>, %select_n3A_183, %reduce_sum3A_184 [1] : vector<4096x128xf32> to vector<4096xf32>
    %broadcast_in_dim3A_186 = vector.shape_cast %reduce_sum3A_185 : vector<4096xf32> to vector<4096x1xf32>
    %add3A_187 = arith.addf %broadcast_in_dim3A, %broadcast_in_dim3A_186 : vector<4096x1xf32>
    %mul3A_188 = arith.constant 2.000000e+00 : f32
    %mul3A_189 = vector.broadcast %mul3A_188 : f32 to vector<4096x1xf32>
    %mul3A_190 = arith.mulf %mul3A_189, %broadcast_in_dim3A_179 : vector<4096x1xf32>
    %sub3A_191 = arith.subf %add3A_187, %mul3A_190 : vector<4096x1xf32>
    %max3A_192 = arith.constant 9.99999996E-13 : f32
    %max3A_193 = vector.broadcast %max3A_192 : f32 to vector<4096x1xf32>
    %max3A_194 = arith.maximumf %sub3A_191, %max3A_193 : vector<4096x1xf32>
    %sqrt3A_195 = math.sqrt %max3A_194 : vector<4096x1xf32>
    %add3A_196 = arith.constant 1.000000e-07 : f32
    %add3A_197 = vector.broadcast %add3A_196 : f32 to vector<4096x1xf32>
    %add3A_198 = arith.addf %sqrt3A_195, %add3A_197 : vector<4096x1xf32>
    %log3A_199 = math.log %add3A_198 : vector<4096x1xf32>
    %add3A_200 = arith.addf %log3A, %log3A_76 : vector<4096x1xf32>
    %add3A_201 = arith.addf %add3A_200, %log3A_117 : vector<4096x1xf32>
    %add3A_202 = arith.addf %add3A_201, %log3A_158 : vector<4096x1xf32>
    %add3A_203 = arith.addf %add3A_202, %log3A_199 : vector<4096x1xf32>
    %mul3A_204 = arith.constant 5.000000e+00 : f32
    %mul3A_205 = vector.broadcast %mul3A_204 : f32 to vector<4096x1xf32>
    %mul3A_206 = arith.mulf %mul3A_205, %log3A_199 : vector<4096x1xf32>
    %sub3A_207 = arith.subf %add3A_203, %mul3A_206 : vector<4096x1xf32>
    %neg3A = arith.constant 0.000000e+00 : f32
    %neg3A_208 = vector.broadcast %neg3A : f32 to vector<4096x1xf32>
    %neg3A_209 = arith.subf %neg3A_208, %sub3A_207 : vector<4096x1xf32>
    %div3A = arith.constant 2.30258512 : f32
    %div3A_210 = vector.broadcast %div3A : f32 to vector<4096x1xf32>
    %div3A_211 = arith.divf %neg3A_209, %div3A_210 : vector<4096x1xf32>
    %get3A_212 = arith.constant 0 : index
    %get3A_213 = arith.constant 0 : index
    %get3A_214 = vector.load %arg2[%get3A_212, %get3A_213] : memref<4096x8xf32, #tpu.memory_space<vmem>>, vector<4096x1xf32>
    %sub3A_215 = arith.subf %get3A_214, %div3A_211 : vector<4096x1xf32>
    %mul3A_216 = arith.mulf %sub3A_215, %sub3A_215 : vector<4096x1xf32>
    %reduce_sum3A_217 = vector.shape_cast %mul3A_216 : vector<4096x1xf32> to vector<1x4096x1xf32>
    %reduce_sum3A_218 = arith.constant dense<0.000000e+00> : vector<1xf32>
    %reduce_sum3A_219 = vector.multi_reduction <add>, %reduce_sum3A_217, %reduce_sum3A_218 [1, 2] : vector<1x4096x1xf32> to vector<1xf32>
    %reduce_sum3A_220 = vector.shape_cast %reduce_sum3A_219 : vector<1xf32> to vector<1x1x1xf32>
    %reduce_sum3A_221 = vector.extract %reduce_sum3A_220[0, 0, 0] : f32 from vector<1x1x1xf32>
    %div3A_222 = arith.constant 2.048000e+05 : f32
    %div3A_223 = arith.divf %reduce_sum3A_221, %div3A_222 : f32
    %reshape3A = vector.broadcast %div3A_223 : f32 to vector<1x1xf32>
    %swap3A = arith.constant 0 : index
    %swap3A_224 = arith.constant 0 : index
    %swap3A_225 = vector.load %arg4[%swap3A, %swap3A_224] : memref<1x1xf32, #tpu.memory_space<vmem>>, vector<1x1xf32>
    tpu.vector_store %arg4[%swap3A, %swap3A_224], %reshape3A {strides = array<i32>} : memref<1x1xf32, #tpu.memory_space<vmem>>, vector<1x1xf32>,
    return
  }
}

</mosaic_0001>

<sc_bundles>
// kernel: kernel.5.cloned.1.call-start
scs
__scs_entry_jumppad:
0x0: {  	(pc) =	sbr.rel $0x88, $3  }
0x1: {  	(tag) =	ssettag $0x0;
	lr =	simm.s32 $0x1  }
0x2: {  	[smem:$0x3F9F] =	sst lr;
	_ =	strace $0xD0000000  }
0x3: {  	_ = 	snop  }
0x4: {  	_ = 	snop  }
0x5: {  	_ = 	snop  }
0x6: {  	_ = 	snop  }
0x7: {  	_ = 	snop  }
__scs_overlays_trampoline_lowered:
0x8: {  	[smem:$0x3FAE] =	sst s0  }
0x9: {  	[smem:$0x3FAF] =	sst s1  }
0xa: {  	[smem:$0x3FB0] =	sst s2  }
0xb: {  	[smem:$0x3FB1] =	sst s3  }
0xc: {  	[smem:$0x3FB2] =	sst s4  }
0xd: {  	[smem:$0x3FB3] =	sst s5  }
0xe: {  	[smem:$0x3FB4] =	sst s6  }
0xf: {  	[smem:$0x3FB5] =	sst s7  }
0x10: {  	[smem:$0x3FB6] =	sst s8  }
0x11: {  	[smem:$0x3FB7] =	sst s9;
	s0 =	simm.s32 @!p0 $0x0  }
0x12: {  	s1 =	sld [smem:$0x3F9D];
	s0 =	simm.s32 @p0 $0x1  }
0x13: {  	[smem:$0x3FB8] =	sst s0;
	s0 =	simm.s32 @!p1 $0x0  }
0x14: {  	s2 =	sld [smem:$0x3F9C];
	s0 =	simm.s32 @p1 $0x1  }
0x15: {  	[smem:$0x3FB9] =	sst s0;
	s0 =	simm.s32 @!p2 $0x0  }
0x16: {  	s3 =	sld [smem:$0x3FDB];
	s0 =	simm.s32 @p2 $0x1  }
0x17: {  	s4 =	simm.s32 $0x1BF5;
	[smem:$0x3FBB] =	sst s0  }
0x18: {  	s0 =	sld [smem:$0x3F9E];
	_ =	swait.ge [sflag:s4], $0x0  }
0x19: {  	s7 =	sld [smem:$0x3F9F]  }
0x1a: {  	s8 =	sadd.s32 $0xFFFFE003, lr  }
0x1b: {  	s9 =	sadd.s32 $0xFFFFFEF7, lr;
	s5 =	simm.s32 $0xFFFFFFFF;
	p2 =	slt.u32 s8, $0xFFFFF086  }
0x1c: {  	p1 =	slt.u32 s9, $0xF7A;
	s5 =	simm.s32 @!p2 $0x0  }
0x1d: {  	s5 =	simm.s32 @p1 $0x1;
	p0 =	seq.s32 s7, s2  }
0x1e: {  	s7 =	smul.u32 @!p0 $0xF7A, s2;
	p2 =	seq.s32 @!p0 s5, $0x0  }
0x1f: {  	s9 =	smul.u32 $0xF7A, s1;
	s8 =	simm.s32 @!p0 $0x1BF5;
	p2 =	por !p2, p0  }
0x20: {  	[sflag:s8] =	ssyncset.s32 @!p0 $0xFFFFF086;
	s6 =	sadd.s32 @!p0 s3, s7;
	s7 =	simm.s32 @!p0 $0x108  }
0x21: {  	s3 =	sadd.s32 s3, s9;
	s6 =	sadd.s32 @!p0 $0x88, s6;
	s7 =	simm.s32 @p2 $0x1082  }
0x22: {  	[simem:s7], [sflag:s8] =	dma.local @!p0 [hbm:s6], $0xF7A  }
0x23: {  	s9 =	sor.u32 $0xD0000000, s2;
	s6 =	simm.s32 $0x108;
	_ =	swait.ge @!p0 [sflag:s8], $0x0  }
0x24: {  	s3 =	sadd.s32 $0x88, s3;
	s6 =	simm.s32 @!p1 $0x1082;
	[sflag:s4] =	ssyncset.s32 $0xFFFFF086  }
0x25: {  	[simem:s6], [sflag:s4] =	dma.local [hbm:s3], $0xF7A  }
0x26: {  	[smem:$0x3F9F] =	sst s1;
	(tag) =	ssettag s2;
	_ =	strace s9  }
0x27: {  	s1 =	sld [smem:$0x3FAF]  }
0x28: {  	s2 =	sld [smem:$0x3FB0]  }
0x29: {  	s4 =	sld [smem:$0x3FB2]  }
0x2a: {  	p0 =	seq.s32 s5, $0x0;
	s5 =	sld [smem:$0x3FB3]  }
0x2b: {  	s6 =	sld [smem:$0x3FB4]  }
0x2c: {  	s7 =	sld [smem:$0x3FB5]  }
0x2d: {  	s3 =	simm.s32 $0x108;
	s8 =	sld [smem:$0x3FB6]  }
0x2e: {  	s3 =	simm.s32 @!p0 $0x1082;
	s9 =	sld [smem:$0x3FB7]  }
0x2f: {  	lr =	sadd.s32 s0, s3;
	s0 =	sld [smem:$0x3FAE]  }
0x30: {  	s3 =	sld [smem:$0x3FB1]  }
0x31: {  	[smem:$0x3FBA] =	sst s10  }
0x32: {  	s10 =	sld [smem:$0x3FB8];
	_ =	sdelay $0x3  }
0x33: {  	p0 =	seq.s32 s10, $0x1;
	s10 =	sld [smem:$0x3FBA];
	_ =	sdelay $0x3  }
0x34: {  	[smem:$0x3FBA] =	sst s10  }
0x35: {  	s10 =	sld [smem:$0x3FB9];
	_ =	sdelay $0x3  }
0x36: {  	p1 =	seq.s32 s10, $0x1;
	s10 =	sld [smem:$0x3FBA];
	_ =	sdelay $0x3  }
0x37: {  	[smem:$0x3FBA] =	sst s10  }
0x38: {  	s10 =	sld [smem:$0x3FBB]  }
0x39: {  	_ = 	snop;
	(pc) =	sbr.ind lr, $3  }
0x3a: {  	_ = 	snop  }
0x3b: {  	_ = 	snop  }
0x3c: {  	p2 =	seq.s32 s10, $0x1;
	s10 =	sld [smem:$0x3FBA]  }
0x3d: {  	_ =	shalt  }
0x3e: {  	_ =	shalt  }
0x3f: {  	_ =	shalt  }
0x40: {  	_ =	shalt  }
0x41: {  	_ =	shalt  }
0x42: {  	_ =	shalt  }
0x43: {  	_ =	shalt  }
0x44: {  	_ =	shalt  }
0x45: {  	_ =	shalt  }
0x46: {  	_ =	shalt  }
0x47: {  	_ =	shalt  }
0x48: {  	_ =	shalt  }
0x49: {  	_ =	shalt  }
0x4a: {  	_ =	shalt  }
0x4b: {  	_ =	shalt  }
0x4c: {  	_ =	shalt  }
0x4d: {  	_ =	shalt  }
0x4e: {  	_ =	shalt  }
0x4f: {  	_ =	shalt  }
0x50: {  	_ =	shalt  }
0x51: {  	_ =	shalt  }
0x52: {  	_ =	shalt  }
0x53: {  	_ =	shalt  }
0x54: {  	_ =	shalt  }
0x55: {  	_ =	shalt  }
0x56: {  	_ =	shalt  }
0x57: {  	_ =	shalt  }
0x58: {  	_ =	shalt  }
0x59: {  	_ =	shalt  }
0x5a: {  	_ =	shalt  }
0x5b: {  	_ =	shalt  }
0x5c: {  	_ =	shalt  }
0x5d: {  	_ =	shalt  }
0x5e: {  	_ =	shalt  }
0x5f: {  	_ =	shalt  }
0x60: {  	_ =	shalt  }
0x61: {  	_ =	shalt  }
0x62: {  	_ =	shalt  }
0x63: {  	_ =	shalt  }
0x64: {  	_ =	shalt  }
0x65: {  	_ =	shalt  }
0x66: {  	_ =	shalt  }
0x67: {  	_ =	shalt  }
0x68: {  	_ =	shalt  }
0x69: {  	_ =	shalt  }
0x6a: {  	_ =	shalt  }
0x6b: {  	_ =	shalt  }
0x6c: {  	_ =	shalt  }
0x6d: {  	_ =	shalt  }
0x6e: {  	_ =	shalt  }
0x6f: {  	_ =	shalt  }
0x70: {  	_ =	shalt  }
0x71: {  	_ =	shalt  }
0x72: {  	_ =	shalt  }
0x73: {  	_ =	shalt  }
0x74: {  	_ =	shalt  }
0x75: {  	_ =	shalt  }
0x76: {  	_ =	shalt  }
0x77: {  	_ =	shalt  }
0x78: {  	_ =	shalt  }
0x79: {  	_ =	shalt  }
0x7a: {  	_ =	shalt  }
0x7b: {  	_ =	shalt  }
0x7c: {  	_ =	shalt  }
0x7d: {  	_ =	shalt  }
0x7e: {  	_ =	shalt  }
0x7f: {  	_ =	shalt  }
0x80: {  	_ =	shalt  }
0x81: {  	_ =	shalt  }
0x82: {  	_ =	shalt  }
0x83: {  	_ =	shalt  }
0x84: {  	_ =	shalt  }
0x85: {  	_ =	shalt  }
0x86: {  	_ =	shalt  }
0x87: {  	_ =	shalt  }
.Lfunc_end0:
.L_simem_size_0:
called_computation_lowered:
.L_overlay_start_0:
0x88: {  	s2 =	sld [smem:$0x3FD9]  }
0x89: {  	s3 =	sld [smem:$0x3FFE];
	_ =	sdelay $0x1  }
0x8a: {  	s1 =	srdreg.scid  }
0x8b: {  	s0 =	sand.u32 $0x1, s1  }
0x8c: {  	s16 =	sshll.u32 s0, $0xA;
	s2 =	sadd.s32 s3, s2  }
0x8d: {  	s2 =	sadd.s32 s2, s16  }
0x8e: {  	[smem:$0x3FC6] =	sst s2  }
0x8f: {  	_ = 	snop  }
0x90: {  	(tm) =	ssettm $0x1  }
0x91: {  	s17 =	sld [smem:$0x3FFB];
	_ =	sdelay $0x3  }
0x92: {  	_ =	strace s17  }
0x93: {  	s2 =	sld [smem:$0x3FFC];
	_ =	sdelay $0x3  }
0x94: {  	_ =	strace s2  }
0x95: {  	s2 =	sld [smem:$0x3FFD];
	_ =	sdelay $0x3  }
0x96: {  	_ =	strace s2  }
0x97: {  	_ =	strace $0x8FFFFFFF  }
0x98: {  	s18 =	sld [smem:$0x3FDB];
	_ =	sdelay $0x1  }
0x99: {  	s19 =	simm.s32 $_scs_section_size  }
0x9a: {  	s4 =	simm.s32 $_size__tile_overlayer_lowered;
	s5 =	simm.s32 $_tile_overlayer_lowered  }
0x9b: {  	s22 =	simm.s32 $0x1BFF;
	s21 =	sshll.u32 s5, $0x1;
	s2 =	sadd.s32 s19, s18  }
0x9c: {  	s6 =	simm.s32 $0x0;
	s20 =	sshll.u32 s4, $0x1;
	s4 =	sadd.s32 s21, s2  }
0x9d: {  	[timem:s6], [sflag:s22] =	dma.local [hbm:s4], s20  }
0x9e: {  	_ =	swait.ge [sflag:s22], s20  }
0x9f: {  	s3 =	ssub.s32 $0x0, s20;
	[sflag:s22] =	ssyncset.done $0x0  }
0xa0: {  	[sflag:s22] =	ssyncadd.s32 s3;
	_ =	sdelay $0x1  }
0xa1: {  	s23 =	simm.s32 $0x1B8B  }
0xa2: {  	_ =	swait.ge [sflag:s23], $0x1  }
0xa3: {  	[sflag:s23] =	ssyncset.done $0x0  }
0xa4: {  	s25 =	simm.s32 $0x1B8E;
	s24 =	sld [smem:$0x3FFE];
	[sflag:s23] =	ssyncadd.s32 $0xFFFFFFFF  }
0xa5: {  	s26 =	simm.s32 $execute0_lowered;
	[smem:$0x3FD2] =	sst s25  }
0xa6: {  	s4 =	sshll.u32 s26, $0x1;
	_ =	strace $0x80000046;
	[dreg:$0x1] =	wrdreg $0xFFFFFFFF  }
0xa7: {  	s28 =	simm.s32 $_size_execute0_lowered;
	s2 =	sadd.s32 s2, s4;
	[dreg:$0x0] =	wrdreg $0x0  }
0xa8: {  	s4 =	sshll.u32 s28, $0x1;
	[dreg:$0x2] =	wrdreg s2  }
0xa9: {  	[dreg:$0x3] =	wrdreg s4  }
0xaa: {  	[dreg:$0x4] =	wrdreg $0xC0  }
0xab: {  	_ =	task [dreg:s6], $0x5FFFF  }
0xac: {  	[dreg:$0x1] =	wrdreg $0xFFFFFFFF  }
0xad: {  	[dreg:$0x0] =	wrdreg $0x60  }
0xae: {  	[dreg:$0x2] =	wrdreg s24  }
0xaf: {  	[dreg:$0x3] =	wrdreg $0x9  }
0xb0: {  	_ =	task.clear_ibuf [dreg:s6], $0x4FFFF;
	_ =	strace $0x90000046  }
0xb1: {  	s29 =	simm.s32 $0x9;
	_ =	strace $0x80000048  }
0xb2: {  	_ =	swait.ge [sflag:s29], $0x1  }
0xb3: {  	[sflag:s29] =	ssyncadd.s32 $0xFFFFFFFF  }
0xb4: {  	_ =	strace $0x90000048  }
0xb5: {  	_ =	sfence  }
0xb6: {  	s30 =	sld [smem:$0x0];
	_ =	sdelay $0x2  }
0xb7: {  	s31 =	sshll.u32 s1, $0xD;
	s1 =	sshrl.u32 s1, $0x2  }
0xb8: {  	s3 =	sand.u32 $0x4000, s31;
	s1 =	sadd.s32 s1, s30  }
0xb9: {  	s0 =	sor.u32 s3, s0;
	s1 =	sshll.u32 s1, $0x11  }
0xba: {  	s0 =	sor.u32 s1, s0  }
0xbb: {  	s0 =	sadd.s32 $0x8F2B, s0  }
0xbc: {  	[sflag:s0] =	ssyncadd.remote.s32 $0x1  }
0xbd: {  	_ =	sfence.sel $0xFFFF  }
0xbe: {  	[dreg:$0x0] =	wrdreg $0xFFFFFFFF;
	(pc) =	sbr.abs _section_cstart, $3  }
0xbf: {  	[dreg:$0x1] =	wrdreg $0xFFFFFFFF  }
0xc0: {  	_ =	task.clear_ibuf [dreg:s6], $0x2FFFF;
	_ =	strace $0x9FFFFFFF  }
0xc1: {  	(tm) =	ssettm $0x7FFFFFFF  }
tec
execute0_lowered:
.L_overlay_start_1:
0x0: {  	(tag) =	ssettag $0x1  }
0x1: {  	s1 =	srdreg.scid;
	s0 =	stileid.u32  }
0x2: {  	s16 =	sand.u32 $0x1, s1;
	s29 =	sshll.u32 s0, $0x1  }
0x3: {  	s17 =	sor.u32 s16, s29  }
0x4: {  	s18 =	rddreg [dreg:$0x0];
	s3 =	smul.u32 $0x50, s17  }
0x5: {  	s2 =	simm.s32 $0x0;
	s1 =	rddreg [dreg:$0x1]  }
0x6: {  	[smem:$0x7FF] =	sst s2;
	s3 =	sadd.s32 s3, s18  }
0x7: {  	_ =	strace $0x80000047;
	s4 =	sadd.s32 $0x8800, s3;
	s3 =	simm.s32 $0x2  }
0x8: {  	[tilespmem:s2], [sflag:$0x2] =	stream.linear.gather [hbm4b:s4+s2], $0x280, $0x38;
	[tilespmem:$0x14280] =	vst v63  }
0x9: {  	_ =	swait.ge [sflag:s3], $0x280  }
0xa: {  	s6 =	simm.s32 $0x80;
	[sflag:s3] =	ssyncset.done $0x0  }
0xb: {  	s7 =	simm.s32 $0x280;
	s5 =	sadd.s32 $0x800, s18;
	[sflag:s3] =	ssyncadd.s32 $0xFFFFFD80  }
0xc: {  	[tilespmem:s7], [sflag:$0x1] =	stream.indirect.gather [hbm4b:s5+s6], $0x80, s2, s6, $0xb8;
	[tilespmem:$0x14280] =	vst v63  }
0xd: {  	s8 =	simm.s32 $0x4280  }
0xe: {  	[tilespmem:s8], [sflag:$0x1] =	stream.indirect.gather [hbm4b:s5+s6], $0x80, s6, s6, $0xb8;
	[tilespmem:$0x14280] =	vst v63  }
0xf: {  	s9 =	simm.s32 $0x100;
	s10 =	simm.s32 $0x8280  }
0x10: {  	[tilespmem:s10], [sflag:$0x1] =	stream.indirect.gather [hbm4b:s5+s6], $0x80, s9, s6, $0xb8;
	[tilespmem:$0x14280] =	vst v63  }
0x11: {  	s11 =	simm.s32 $0x180;
	s12 =	simm.s32 $0xC280  }
0x12: {  	[tilespmem:s12], [sflag:$0x1] =	stream.indirect.gather [hbm4b:s5+s6], $0x80, s11, s6, $0xb8;
	[tilespmem:$0x14280] =	vst v63  }
0x13: {  	s13 =	simm.s32 $0x200;
	s14 =	simm.s32 $0x10280;
	s15 =	simm.s32 $0x1  }
0x14: {  	[tilespmem:s14], [sflag:$0x1] =	stream.indirect.gather [hbm4b:s5+s6], $0x80, s13, s6, $0xb8;
	[tilespmem:$0x14280] =	vst v63  }
0x15: {  	_ =	swait.ge [sflag:s15], $0x4000  }
0x16: {  	[sflag:s15] =	ssyncset.done $0x0  }
0x17: {  	[sflag:s15] =	ssyncadd.s32 $0xFFFFC000  }
0x18: {  	_ =	swait.ge [sflag:s15], $0x4000  }
0x19: {  	[sflag:s15] =	ssyncset.done $0x0  }
0x1a: {  	[sflag:s15] =	ssyncadd.s32 $0xFFFFC000  }
0x1b: {  	_ =	swait.ge [sflag:s15], $0x4000  }
0x1c: {  	[sflag:s15] =	ssyncset.done $0x0  }
0x1d: {  	s16 =	ssub.s32 $0x2, s16;
	[sflag:s15] =	ssyncadd.s32 $0xFFFFC000  }
0x1e: {  	s19 =	sshrl.u32 s16, $0x1;
	_ =	swait.ge [sflag:s15], $0x4000  }
0x1f: {  	s30 =	ssub.s32 s16, s19;
	[sflag:s15] =	ssyncset.done $0x0  }
0x20: {  	s17 =	smul.u32 $0x2800, s17;
	s31 =	smax.u32 s30, $0x1;
	[sflag:s15] =	ssyncadd.s32 $0xFFFFC000  }
0x21: {  	p0 =	sne.s32 s31, $0x1;
	_ =	swait.ge [sflag:s15], $0x4000  }
.Ltmp0:
0x22: {  	s17 =	sadd.s32 s17, s18;
	[sflag:s15] =	ssyncset.done $0x0;
	(pc) =	sbr.rel @!p0 .LBB2_2-.Ltmp0, $4  }
0x23: {  	s16 =	sadd.s32 $0x9200, s17;
	[sflag:s15] =	ssyncadd.s32 $0xFFFFC000  }
0x24: {  	[hbm4b:s16+s2] =	stream.linear.scatter [tilespmem:s7], [sflag:$0x2], $0x14000, $0x38;
	[tilespmem:$0x14280] =	vst v63  }
0x25: {  	_ =	swait.ge [sflag:s3], $0x14000  }
0x26: {  	s17 =	sadd.s32 $0xFFFFFFFF, s31;
	[sflag:s3] =	ssyncset.done $0x0  }
.LBB2_1:
0x27: {  	p0 =	sne.s32 s17, $0x1;
	s17 =	sadd.s32 $0xFFFFFFFF, s17;
	[sflag:s3] =	ssyncadd.s32 $0xFFFEC000  }
0x28: {  	[tilespmem:s2], [sflag:$0x2] =	stream.linear.gather [hbm4b:s4+s2], $0x280, $0x38;
	[tilespmem:$0x14280] =	vst v63  }
0x29: {  	_ =	swait.ge [sflag:s3], $0x280  }
0x2a: {  	[sflag:s3] =	ssyncset.done $0x0  }
0x2b: {  	[sflag:s3] =	ssyncadd.s32 $0xFFFFFD80  }
0x2c: {  	[tilespmem:s7], [sflag:$0x1] =	stream.indirect.gather [hbm4b:s5+s6], $0x80, s2, s6, $0xb8;
	[tilespmem:$0x14280] =	vst v63  }
0x2d: {  	_ = 	snop  }
0x2e: {  	[tilespmem:s8], [sflag:$0x1] =	stream.indirect.gather [hbm4b:s5+s6], $0x80, s6, s6, $0xb8;
	[tilespmem:$0x14280] =	vst v63  }
0x2f: {  	_ = 	snop  }
0x30: {  	[tilespmem:s10], [sflag:$0x1] =	stream.indirect.gather [hbm4b:s5+s6], $0x80, s9, s6, $0xb8;
	[tilespmem:$0x14280] =	vst v63  }
0x31: {  	_ = 	snop  }
0x32: {  	[tilespmem:s12], [sflag:$0x1] =	stream.indirect.gather [hbm4b:s5+s6], $0x80, s11, s6, $0xb8;
	[tilespmem:$0x14280] =	vst v63  }
0x33: {  	_ = 	snop  }
0x34: {  	[tilespmem:s14], [sflag:$0x1] =	stream.indirect.gather [hbm4b:s5+s6], $0x80, s13, s6, $0xb8;
	[tilespmem:$0x14280] =	vst v63  }
0x35: {  	_ =	swait.ge [sflag:s15], $0x4000  }
0x36: {  	[sflag:s15] =	ssyncset.done $0x0  }
0x37: {  	[sflag:s15] =	ssyncadd.s32 $0xFFFFC000  }
0x38: {  	_ =	swait.ge [sflag:s15], $0x4000  }
0x39: {  	[sflag:s15] =	ssyncset.done $0x0  }
0x3a: {  	[sflag:s15] =	ssyncadd.s32 $0xFFFFC000  }
0x3b: {  	_ =	swait.ge [sflag:s15], $0x4000  }
0x3c: {  	[sflag:s15] =	ssyncset.done $0x0  }
0x3d: {  	[sflag:s15] =	ssyncadd.s32 $0xFFFFC000  }
0x3e: {  	_ =	swait.ge [sflag:s15], $0x4000  }
0x3f: {  	[sflag:s15] =	ssyncset.done $0x0  }
0x40: {  	[sflag:s15] =	ssyncadd.s32 $0xFFFFC000  }
0x41: {  	_ =	swait.ge [sflag:s15], $0x4000  }
.Ltmp1:
0x42: {  	[sflag:s15] =	ssyncset.done $0x0;
	(pc) =	sbr.rel @p0 .LBB2_1-.Ltmp1, $4  }
0x43: {  	[sflag:s15] =	ssyncadd.s32 $0xFFFFC000  }
0x44: {  	[hbm4b:s16+s2] =	stream.linear.scatter [tilespmem:s7], [sflag:$0x2], $0x14000, $0x38;
	[tilespmem:$0x14280] =	vst v63  }
0x45: {  	_ =	swait.ge [sflag:s3], $0x14000  }
0x46: {  	[sflag:s3] =	ssyncset.done $0x0  }
.LBB2_2:
0x47: {  	[sflag:s3] =	ssyncadd.s32 $0xFFFEC000  }
0x48: {  	_ =	sfence.sel $0x180000  }
0x49: {  	[bflag:$0x0] =	sbarrier.arrive $0xFFFF  }
0x4a: {  	p0 =	sne.s32 s0, $0x0;
	_ =	strace $0x90000047  }
0x4b: {  	s0 =	sadd.s32 @!p0 $0x100000, s1;
	[bflag:$0x2] =	sbarrier.arrive $0xFFFF  }
0x4c: {  	[sflag:s0] =	ssyncadd.tile.s32 @!p0 $0x1;
	_ =	shalt  }
.Lfunc_end2:
_tile_overlayer_lowered:
.L_overlay_start_2:
0x4d: {  	(tag) =	ssettag $0x2  }
0x4e: {  	s0 =	rddreg [dreg:$0x0];
	s2 =	stileid.u32  }
0x4f: {  	s1 =	rddreg [dreg:$0x1];
	p0 =	sne.s32 s2, $0x0  }
0x50: {  	s3 =	rddreg [dreg:$0x2];
	[bflag:$0x3] =	sbarrier.arrive $0xFFFF;
	s2 =	simm.s32 @!p0 $0x1C02  }
0x51: {  	[timem:s3], [sflag:s2] =	dma.local @!p0 [hbm:s0], s1  }
0x52: {  	s0 =	simm.s32 @!p0 $0x2  }
0x53: {  	_ =	swait.ge @!p0 [sflag:s0], s1  }
0x54: {  	s1 =	ssub.s32 @!p0 $0x0, s1;
	[sflag:s0] =	ssyncset.done @!p0 $0x0  }
0x55: {  	[sflag:s0] =	ssyncadd.s32 @!p0 s1  }
0x56: {  	[bflag:$0x3] =	sbarrier.arrive $0xFFFF  }
0x57: {  	_ =	shalt  }

</sc_bundles>
